<compile_context>
chip_gen: v7x
topology: tpu7x:2x2x1
jax: 0.10.2.dev20260603
libtpu: 0.0.44.dev20260713+nightly
codegen_flags: <defaults>
</compile_context>

<pallas_src>
import functools

import jax
import jax.numpy as jnp
from jax import lax
from jax.experimental import pallas as pl
from jax.experimental.pallas import tpu as pltpu
from jax.experimental.pallas import tpu_sc as plsc

B = 16384
L = 50
D = 64
N_ROWS = 1000000

NUM_CORES = 2
NUM_SUBCORES = 16
NW = NUM_CORES * NUM_SUBCORES
BPW = B // NW



TR_BLK = 8192


HB = TR_BLK // 2
NB = (N_ROWS + TR_BLK - 1) // TR_BLK
P_ROWS = NB * HB
F_ROWS = 2 * P_ROWS


def _tr_body(in_ref, eye_ref, out_ref):
    dn = (((0,), (0,)), ((), ()))
    out_ref[:, 0:D] = lax.dot_general(
        in_ref[:, 0:HB], eye_ref[...], dn, preferred_element_type=jnp.float32)
    out_ref[:, D:2 * D] = lax.dot_general(
        in_ref[:, HB:TR_BLK], eye_ref[...], dn,
        preferred_element_type=jnp.float32)


def _tc_transpose(table_t):
    eye = jnp.eye(D, dtype=jnp.float32)
    packed = pl.pallas_call(
        _tr_body,
        grid=(NB,),
        in_specs=[pl.BlockSpec((D, TR_BLK), lambda i: (0, i)),
                  pl.BlockSpec((D, D), lambda i: (0, 0))],
        out_specs=pl.BlockSpec((HB, 2 * D), lambda i: (i, 0)),
        out_shape=jax.ShapeDtypeStruct((P_ROWS, 2 * D), jnp.float32),
    )(table_t, eye)
    return packed.reshape(F_ROWS, D)


def _flat_idx(r):
    rem = r % TR_BLK
    return (r - rem) + 2 * (rem % HB) + rem // HB



def _sc_news_body(tids_hbm, hist_hbm, ntab_hbm,
                  temb_out, hsum_out,
                  idx_v, hidx_v, rows_v, acc_v, sem_a, sem_b):
    wid = lax.axis_index("s") * NUM_CORES + lax.axis_index("c")
    base = wid * BPW

    pltpu.sync_copy(tids_hbm.at[pl.ds(base, BPW)], idx_v)
    pltpu.async_copy(ntab_hbm.at[idx_v], rows_v, sem_a).wait()
    pltpu.sync_copy(rows_v, temb_out.at[pl.ds(base, BPW)])

    pltpu.sync_copy(hist_hbm.at[:, pl.ds(base, BPW)], hidx_v)

    pltpu.async_copy(ntab_hbm.at[hidx_v.at[0]], acc_v, sem_a).wait()

    K = 7
    @pl.loop(0, (L - 1) // K)
    def _chunk(c):
        descs = []
        for j in range(K):
            step = 1 + c * K + j
            descs.append(
                pltpu.async_copy(ntab_hbm.at[hidx_v.at[step]], acc_v,
                                 sem_b, add=True))
        for d in descs:
            d.wait()

    pltpu.sync_copy(acc_v, hsum_out.at[pl.ds(base, BPW)])


def _sc_news(target_news_ids, hist_t, news_rm):
    mesh = plsc.VectorSubcoreMesh(core_axis_name="c", subcore_axis_name="s",
                                  num_cores=NUM_CORES,
                                  num_subcores=NUM_SUBCORES)
    f32 = jnp.float32
    return pl.kernel(
        _sc_news_body,
        out_type=[
            jax.ShapeDtypeStruct((B, D), f32),
            jax.ShapeDtypeStruct((B, D), f32),
        ],
        mesh=mesh,
        scratch_types=[
            pltpu.VMEM((BPW,), jnp.int32),
            pltpu.VMEM((L, BPW), jnp.int32),
            pltpu.VMEM((BPW, D), f32),
            pltpu.VMEM((BPW, D), f32),
            pltpu.SemaphoreType.DMA,
            pltpu.SemaphoreType.DMA,
        ],
        compiler_params=pltpu.CompilerParams(use_tc_tiling_on_sc=False),
    )(target_news_ids, hist_t, news_rm)



def _sc_user_body(uids_hbm, utab_hbm, uemb_out, idx_v, rows_v, sem_a):
    wid = lax.axis_index("s") * NUM_CORES + lax.axis_index("c")
    base = wid * BPW
    pltpu.sync_copy(uids_hbm.at[pl.ds(base, BPW)], idx_v)
    pltpu.async_copy(utab_hbm.at[idx_v], rows_v, sem_a).wait()
    pltpu.sync_copy(rows_v, uemb_out.at[pl.ds(base, BPW)])


def _sc_user(user_ids, user_rm):
    mesh = plsc.VectorSubcoreMesh(core_axis_name="c", subcore_axis_name="s",
                                  num_cores=NUM_CORES,
                                  num_subcores=NUM_SUBCORES)
    return pl.kernel(
        _sc_user_body,
        out_type=jax.ShapeDtypeStruct((B, D), jnp.float32),
        mesh=mesh,
        scratch_types=[
            pltpu.VMEM((BPW,), jnp.int32),
            pltpu.VMEM((BPW, D), jnp.float32),
            pltpu.SemaphoreType.DMA,
        ],
        compiler_params=pltpu.CompilerParams(use_tc_tiling_on_sc=False),
    )(user_ids, user_rm)



TC_BLK = 2048


def _tc_body(uemb_ref, temb_ref, hsum_ref,
             uW1_ref, ub1_ref, uW2_ref, ub2_ref,
             nW1_ref, nb1_ref, nW2_ref, nb2_ref,
             logits_ref, uvec_ref, ivec_ref):
    dn = (((1,), (1,)), ((), ()))

    combined = uemb_ref[...] + hsum_ref[...] * (1.0 / L)
    h = jax.nn.relu(
        lax.dot_general(combined, uW1_ref[...], dn,
                        preferred_element_type=jnp.float32) + ub1_ref[...])
    uv = lax.dot_general(h, uW2_ref[...], dn,
                         preferred_element_type=jnp.float32) + ub2_ref[...]
    un = jnp.sqrt(jnp.sum(uv * uv, axis=1, keepdims=True))
    uv = uv / jnp.maximum(un, 1e-12)

    h2 = jax.nn.relu(
        lax.dot_general(temb_ref[...], nW1_ref[...], dn,
                        preferred_element_type=jnp.float32) + nb1_ref[...])
    iv = lax.dot_general(h2, nW2_ref[...], dn,
                         preferred_element_type=jnp.float32) + nb2_ref[...]
    inn = jnp.sqrt(jnp.sum(iv * iv, axis=1, keepdims=True))
    iv = iv / jnp.maximum(inn, 1e-12)

    uvec_ref[...] = uv
    ivec_ref[...] = iv
    logits_ref[...] = jnp.sum(uv * iv, axis=1)


def _tc_towers(uemb, temb, hsum, uW1, ub1, uW2, ub2, nW1, nb1, nW2, nb2):
    f32 = jnp.float32
    row_spec = pl.BlockSpec((TC_BLK, D), lambda i: (i, 0))
    w_spec = pl.BlockSpec((D, D), lambda i: (0, 0))
    b_spec = pl.BlockSpec((1, D), lambda i: (0, 0))
    return pl.pallas_call(
        _tc_body,
        grid=(B // TC_BLK,),
        in_specs=[row_spec, row_spec, row_spec,
                  w_spec, b_spec, w_spec, b_spec,
                  w_spec, b_spec, w_spec, b_spec],
        out_specs=[pl.BlockSpec((TC_BLK,), lambda i: (i,)),
                   row_spec, row_spec],
        out_shape=[jax.ShapeDtypeStruct((B,), f32),
                   jax.ShapeDtypeStruct((B, D), f32),
                   jax.ShapeDtypeStruct((B, D), f32)],
    )(uemb, temb, hsum,
      uW1, ub1.reshape(1, D), uW2, ub2.reshape(1, D),
      nW1, nb1.reshape(1, D), nW2, nb2.reshape(1, D))


def kernel(user_ids, history_news_ids, history_mask, target_news_ids,
           user_table, news_table, uW1, ub1, uW2, ub2, nW1, nb1, nW2, nb2):
    del history_mask
    hist_t = _flat_idx(history_news_ids).T
    tgt_f = _flat_idx(target_news_ids)
    uid_f = _flat_idx(user_ids)

    news_rm = _tc_transpose(news_table.T)
    temb, hsum = _sc_news(tgt_f, hist_t, news_rm)
    user_rm = _tc_transpose(user_table.T)
    uemb = _sc_user(uid_f, user_rm)

    logits, uvec, ivec = _tc_towers(
        uemb, temb, hsum, uW1, ub1, uW2, ub2, nW1, nb1, nW2, nb2)
    return (logits, uvec, ivec)

# --- scband reference (transcript-rebuilt; emitter-appended) ---
"""Pipeline reference for scband-two-tower-model-25769803776614 (READ-ONLY COPY).

The authoritative reference and input builder live on the scoring server;
editing this copy changes nothing except your own understanding.
"""

import jax, jax.numpy as jnp
import numpy as np

B = 16384
L = 50
NUM_USERS = 1000000
NUM_NEWS = 1000000
D = 64


def _l2norm(x, axis=1, eps=1e-12):
    n = jnp.linalg.norm(x, ord=2, axis=axis, keepdims=True)
    return x / jnp.maximum(n, eps)


def setup_inputs(seed: int = 0) -> dict:
    key = jax.random.key(seed)
    ks = jax.random.split(key, 14)
    inp = {}
    inp["user_ids"] = jax.random.randint(ks[0], (B,), 0, NUM_USERS, dtype=jnp.int32)
    inp["history_news_ids"] = jax.random.randint(ks[1], (B, L), 0, NUM_NEWS, dtype=jnp.int32)
    inp["history_mask"] = jnp.ones((B, L), dtype=jnp.float32)
    inp["target_news_ids"] = jax.random.randint(ks[2], (B,), 0, NUM_NEWS, dtype=jnp.int32)
    # learned parameters
    inp["user_table"] = jax.random.normal(ks[3], (NUM_USERS, D), dtype=jnp.float32)
    inp["news_table"] = jax.random.normal(ks[4], (NUM_NEWS, D), dtype=jnp.float32)
    s = 1.0 / np.sqrt(D)
    inp["uW1"] = jax.random.uniform(ks[5], (D, D), jnp.float32, -s, s)
    inp["ub1"] = jax.random.uniform(ks[6], (D,), jnp.float32, -s, s)
    inp["uW2"] = jax.random.uniform(ks[7], (D, D), jnp.float32, -s, s)
    inp["ub2"] = jax.random.uniform(ks[8], (D,), jnp.float32, -s, s)
    inp["nW1"] = jax.random.uniform(ks[9], (D, D), jnp.float32, -s, s)
    inp["nb1"] = jax.random.uniform(ks[10], (D,), jnp.float32, -s, s)
    inp["nW2"] = jax.random.uniform(ks[11], (D, D), jnp.float32, -s, s)
    inp["nb2"] = jax.random.uniform(ks[12], (D,), jnp.float32, -s, s)
    return inp


def reference(user_ids, history_news_ids, history_mask, target_news_ids,
              user_table, news_table, uW1, ub1, uW2, ub2, nW1, nb1, nW2, nb2):
    # UserEncoder
    user_emb = jnp.take(user_table, user_ids, axis=0)                 # [B, D]
    history_emb = jnp.take(news_table, history_news_ids, axis=0)      # [B, L, D]
    mask = history_mask[:, :, None]                                   # [B, L, 1]
    history_emb = history_emb * mask
    sum_emb = history_emb.sum(axis=1)                                 # [B, D]
    count = jnp.maximum(mask.sum(axis=1), 1.0)                        # [B, 1]
    avg_history_emb = sum_emb / count
    combined = user_emb + avg_history_emb
    h = jax.nn.relu(combined @ uW1.T + ub1)
    user_vec = _l2norm(h @ uW2.T + ub2, axis=1)
    # NewsEncoder on target items
    item_emb = jnp.take(news_table, target_news_ids, axis=0)          # [B, D]
    h2 = jax.nn.relu(item_emb @ nW1.T + nb1)
    item_vec = _l2norm(h2 @ nW2.T + nb2, axis=1)
    logits = (user_vec * item_vec).sum(axis=1)                        # [B]
    return (logits, user_vec, item_vec)

if __name__ == "__main__":
    import jax
    _d = setup_inputs()
    print(jax.jit(kernel)(*tuple(_d.values())))

</pallas_src>

<mosaic_0001>
#map = affine_map<(d0, d1) -> (0)>
#map1 = affine_map<(d0, d1) -> (0, 0)>
module attributes {stable_mosaic.version = 14 : i64} {
  func.func @_sc_user_body(%arg0: i32, %arg1: i32, %arg2: memref<16384xi32, #tpu.memory_space<hbm>>, %arg3: memref<1007616x64xf32, #tpu.memory_space<hbm>>, %arg4: memref<16384x64xf32, #tpu.memory_space<hbm>>, %arg5: memref<512xi32, #tpu.memory_space<vmem>>, %arg6: memref<512x64xf32, #tpu.memory_space<vmem>>, %arg7: memref<!tpu.dma_semaphore, #tpu.memory_space<semaphore_mem>>) attributes {dimension_semantics = [#tpu.dimension_semantics<core_parallel>, #tpu.dimension_semantics<subcore_parallel>], iteration_bounds = array<i64: 2, 16>, scalar_prefetch = 0 : i64, scratch_operands = 3 : i64, tpu.core_type = #tpu.core_type<sc_vector_subcore>, window_params = [{transform_indices = #map}, {transform_indices = #map1}, {transform_indices = #map1}]} {
    %mul3A = arith.constant 2 : i32
    %mul3A_0 = arith.muli %arg1, %mul3A : i32
    %add3A = arith.addi %mul3A_0, %arg0 : i32
    %mul3A_1 = arith.constant 512 : i32
    %mul3A_2 = arith.muli %add3A, %mul3A_1 : i32
    "tpu.region"() ({
      %run_scoped3A = tpu.sem_alloc : memref<!tpu.dma_semaphore, #tpu.memory_space<semaphore_mem>>
      %dma_start3A_7 = tpu.memref_slice %arg2[%mul3A_2] : memref<16384xi32, #tpu.memory_space<hbm>> -> memref<512xi32, #tpu.memory_space<hbm>>
      %dma_start3A_8 = tpu.memref_slice %arg2[%mul3A_2] : memref<16384xi32, #tpu.memory_space<hbm>> -> memref<512xi32, #tpu.memory_space<hbm>>
      tpu.enqueue_dma source(%dma_start3A_8 : memref<512xi32, #tpu.memory_space<hbm>>) target(%arg5 : memref<512xi32, #tpu.memory_space<vmem>>) target_semaphore(%run_scoped3A : memref<!tpu.dma_semaphore, #tpu.memory_space<semaphore_mem>>)
      %dma_wait3A_9 = tpu.memref_slice %arg2[%mul3A_2] : memref<16384xi32, #tpu.memory_space<hbm>> -> memref<512xi32, #tpu.memory_space<hbm>>
      %dma_wait3A_10 = tpu.memref_slice %arg2[%mul3A_2] : memref<16384xi32, #tpu.memory_space<hbm>> -> memref<512xi32, #tpu.memory_space<hbm>>
      tpu.wait_dma2 semaphore(%run_scoped3A : memref<!tpu.dma_semaphore, #tpu.memory_space<semaphore_mem>>) src(%dma_wait3A_10 : memref<512xi32, #tpu.memory_space<hbm>>) dst(%arg5 : memref<512xi32, #tpu.memory_space<vmem>>)
      tpu.yield
    }) : () -> ()
    %dma_start3A = arith.constant 0 : i32
    %dma_start3A_3 = arith.constant 0 : i32
    %dma_start3A_4 = tpu.memref_slice %arg3[%dma_start3A, %dma_start3A_3] : memref<1007616x64xf32, #tpu.memory_space<hbm>> -> memref<1007616x64xf32, #tpu.memory_space<hbm>>
    tpu.enqueue_indirect_dma source(%dma_start3A_4 : memref<1007616x64xf32, #tpu.memory_space<hbm>>) target(%arg6 : memref<512x64xf32, #tpu.memory_space<vmem>>) offsets(%arg5 : memref<512xi32, #tpu.memory_space<vmem>>) semaphore(%arg7 : memref<!tpu.dma_semaphore, #tpu.memory_space<semaphore_mem>>)
    %dma_wait3A = arith.constant 0 : i32
    %dma_wait3A_5 = arith.constant 0 : i32
    %dma_wait3A_6 = tpu.memref_slice %arg3[%dma_wait3A, %dma_wait3A_5] : memref<1007616x64xf32, #tpu.memory_space<hbm>> -> memref<1007616x64xf32, #tpu.memory_space<hbm>>
    tpu.wait_indirect_dma semaphore(%arg7 : memref<!tpu.dma_semaphore, #tpu.memory_space<semaphore_mem>>) src(%dma_wait3A_6 : memref<1007616x64xf32, #tpu.memory_space<hbm>>) dst(%arg6 : memref<512x64xf32, #tpu.memory_space<vmem>>)
    "tpu.region"() ({
      %run_scoped3A = tpu.sem_alloc : memref<!tpu.dma_semaphore, #tpu.memory_space<semaphore_mem>>
      %dma_start3A_7 = arith.constant 0 : i32
      %dma_start3A_8 = tpu.memref_slice %arg4[%mul3A_2, %dma_start3A_7] : memref<16384x64xf32, #tpu.memory_space<hbm>> -> memref<512x64xf32, #tpu.memory_space<hbm>>
      %dma_start3A_9 = arith.constant 0 : i32
      %dma_start3A_10 = tpu.memref_slice %arg4[%mul3A_2, %dma_start3A_9] : memref<16384x64xf32, #tpu.memory_space<hbm>> -> memref<512x64xf32, #tpu.memory_space<hbm>>
      tpu.enqueue_dma source(%arg6 : memref<512x64xf32, #tpu.memory_space<vmem>>) target(%dma_start3A_10 : memref<512x64xf32, #tpu.memory_space<hbm>>) target_semaphore(%run_scoped3A : memref<!tpu.dma_semaphore, #tpu.memory_space<semaphore_mem>>)
      %dma_wait3A_11 = arith.constant 0 : i32
      %dma_wait3A_12 = tpu.memref_slice %arg4[%mul3A_2, %dma_wait3A_11] : memref<16384x64xf32, #tpu.memory_space<hbm>> -> memref<512x64xf32, #tpu.memory_space<hbm>>
      %dma_wait3A_13 = arith.constant 0 : i32
      %dma_wait3A_14 = tpu.memref_slice %arg4[%mul3A_2, %dma_wait3A_13] : memref<16384x64xf32, #tpu.memory_space<hbm>> -> memref<512x64xf32, #tpu.memory_space<hbm>>
      tpu.wait_dma2 semaphore(%run_scoped3A : memref<!tpu.dma_semaphore, #tpu.memory_space<semaphore_mem>>) src(%arg6 : memref<512x64xf32, #tpu.memory_space<vmem>>) dst(%dma_wait3A_14 : memref<512x64xf32, #tpu.memory_space<hbm>>)
      tpu.yield
    }) : () -> ()
    return
  }
}

#map = affine_map<(d0, d1) -> (0)>
#map1 = affine_map<(d0, d1) -> (0, 0)>
module attributes {stable_mosaic.version = 14 : i64} {
  func.func @_sc_news_body(%arg0: i32, %arg1: i32, %arg2: memref<16384xi32, #tpu.memory_space<hbm>>, %arg3: memref<50x16384xi32, #tpu.memory_space<hbm>>, %arg4: memref<1007616x64xf32, #tpu.memory_space<hbm>>, %arg5: memref<16384x64xf32, #tpu.memory_space<hbm>>, %arg6: memref<16384x64xf32, #tpu.memory_space<hbm>>, %arg7: memref<512xi32, #tpu.memory_space<vmem>>, %arg8: memref<50x512xi32, #tpu.memory_space<vmem>>, %arg9: memref<512x64xf32, #tpu.memory_space<vmem>>, %arg10: memref<512x64xf32, #tpu.memory_space<vmem>>, %arg11: memref<!tpu.dma_semaphore, #tpu.memory_space<semaphore_mem>>, %arg12: memref<!tpu.dma_semaphore, #tpu.memory_space<semaphore_mem>>) attributes {dimension_semantics = [#tpu.dimension_semantics<core_parallel>, #tpu.dimension_semantics<subcore_parallel>], iteration_bounds = array<i64: 2, 16>, scalar_prefetch = 0 : i64, scratch_operands = 6 : i64, tpu.core_type = #tpu.core_type<sc_vector_subcore>, window_params = [{transform_indices = #map}, {transform_indices = #map1}, {transform_indices = #map1}, {transform_indices = #map1}, {transform_indices = #map1}]} {
    %mul3A = arith.constant 2 : i32
    %mul3A_0 = arith.muli %arg1, %mul3A : i32
    %add3A = arith.addi %mul3A_0, %arg0 : i32
    %mul3A_1 = arith.constant 512 : i32
    %mul3A_2 = arith.muli %add3A, %mul3A_1 : i32
    "tpu.region"() ({
      %run_scoped3A = tpu.sem_alloc : memref<!tpu.dma_semaphore, #tpu.memory_space<semaphore_mem>>
      %dma_start3A_25 = tpu.memref_slice %arg2[%mul3A_2] : memref<16384xi32, #tpu.memory_space<hbm>> -> memref<512xi32, #tpu.memory_space<hbm>>
      %dma_start3A_26 = tpu.memref_slice %arg2[%mul3A_2] : memref<16384xi32, #tpu.memory_space<hbm>> -> memref<512xi32, #tpu.memory_space<hbm>>
      tpu.enqueue_dma source(%dma_start3A_26 : memref<512xi32, #tpu.memory_space<hbm>>) target(%arg7 : memref<512xi32, #tpu.memory_space<vmem>>) target_semaphore(%run_scoped3A : memref<!tpu.dma_semaphore, #tpu.memory_space<semaphore_mem>>)
      %dma_wait3A_27 = tpu.memref_slice %arg2[%mul3A_2] : memref<16384xi32, #tpu.memory_space<hbm>> -> memref<512xi32, #tpu.memory_space<hbm>>
      %dma_wait3A_28 = tpu.memref_slice %arg2[%mul3A_2] : memref<16384xi32, #tpu.memory_space<hbm>> -> memref<512xi32, #tpu.memory_space<hbm>>
      tpu.wait_dma2 semaphore(%run_scoped3A : memref<!tpu.dma_semaphore, #tpu.memory_space<semaphore_mem>>) src(%dma_wait3A_28 : memref<512xi32, #tpu.memory_space<hbm>>) dst(%arg7 : memref<512xi32, #tpu.memory_space<vmem>>)
      tpu.yield
    }) : () -> ()
    %dma_start3A = arith.constant 0 : i32
    %dma_start3A_3 = arith.constant 0 : i32
    %dma_start3A_4 = tpu.memref_slice %arg4[%dma_start3A, %dma_start3A_3] : memref<1007616x64xf32, #tpu.memory_space<hbm>> -> memref<1007616x64xf32, #tpu.memory_space<hbm>>
    tpu.enqueue_indirect_dma source(%dma_start3A_4 : memref<1007616x64xf32, #tpu.memory_space<hbm>>) target(%arg9 : memref<512x64xf32, #tpu.memory_space<vmem>>) offsets(%arg7 : memref<512xi32, #tpu.memory_space<vmem>>) semaphore(%arg11 : memref<!tpu.dma_semaphore, #tpu.memory_space<semaphore_mem>>)
    %dma_wait3A = arith.constant 0 : i32
    %dma_wait3A_5 = arith.constant 0 : i32
    %dma_wait3A_6 = tpu.memref_slice %arg4[%dma_wait3A, %dma_wait3A_5] : memref<1007616x64xf32, #tpu.memory_space<hbm>> -> memref<1007616x64xf32, #tpu.memory_space<hbm>>
    tpu.wait_indirect_dma semaphore(%arg11 : memref<!tpu.dma_semaphore, #tpu.memory_space<semaphore_mem>>) src(%dma_wait3A_6 : memref<1007616x64xf32, #tpu.memory_space<hbm>>) dst(%arg9 : memref<512x64xf32, #tpu.memory_space<vmem>>)
    "tpu.region"() ({
      %run_scoped3A = tpu.sem_alloc : memref<!tpu.dma_semaphore, #tpu.memory_space<semaphore_mem>>
      %dma_start3A_25 = arith.constant 0 : i32
      %dma_start3A_26 = tpu.memref_slice %arg5[%mul3A_2, %dma_start3A_25] : memref<16384x64xf32, #tpu.memory_space<hbm>> -> memref<512x64xf32, #tpu.memory_space<hbm>>
      %dma_start3A_27 = arith.constant 0 : i32
      %dma_start3A_28 = tpu.memref_slice %arg5[%mul3A_2, %dma_start3A_27] : memref<16384x64xf32, #tpu.memory_space<hbm>> -> memref<512x64xf32, #tpu.memory_space<hbm>>
      tpu.enqueue_dma source(%arg9 : memref<512x64xf32, #tpu.memory_space<vmem>>) target(%dma_start3A_28 : memref<512x64xf32, #tpu.memory_space<hbm>>) target_semaphore(%run_scoped3A : memref<!tpu.dma_semaphore, #tpu.memory_space<semaphore_mem>>)
      %dma_wait3A_29 = arith.constant 0 : i32
      %dma_wait3A_30 = tpu.memref_slice %arg5[%mul3A_2, %dma_wait3A_29] : memref<16384x64xf32, #tpu.memory_space<hbm>> -> memref<512x64xf32, #tpu.memory_space<hbm>>
      %dma_wait3A_31 = arith.constant 0 : i32
      %dma_wait3A_32 = tpu.memref_slice %arg5[%mul3A_2, %dma_wait3A_31] : memref<16384x64xf32, #tpu.memory_space<hbm>> -> memref<512x64xf32, #tpu.memory_space<hbm>>
      tpu.wait_dma2 semaphore(%run_scoped3A : memref<!tpu.dma_semaphore, #tpu.memory_space<semaphore_mem>>) src(%arg9 : memref<512x64xf32, #tpu.memory_space<vmem>>) dst(%dma_wait3A_32 : memref<512x64xf32, #tpu.memory_space<hbm>>)
      tpu.yield
    }) : () -> ()
    "tpu.region"() ({
      %run_scoped3A = tpu.sem_alloc : memref<!tpu.dma_semaphore, #tpu.memory_space<semaphore_mem>>
      %dma_start3A_25 = arith.constant 0 : i32
      %dma_start3A_26 = tpu.memref_slice %arg3[%dma_start3A_25, %mul3A_2] : memref<50x16384xi32, #tpu.memory_space<hbm>> -> memref<50x512xi32, #tpu.memory_space<hbm>>
      %dma_start3A_27 = arith.constant 0 : i32
      %dma_start3A_28 = tpu.memref_slice %arg3[%dma_start3A_27, %mul3A_2] : memref<50x16384xi32, #tpu.memory_space<hbm>> -> memref<50x512xi32, #tpu.memory_space<hbm>>
      tpu.enqueue_dma source(%dma_start3A_28 : memref<50x512xi32, #tpu.memory_space<hbm>>) target(%arg8 : memref<50x512xi32, #tpu.memory_space<vmem>>) target_semaphore(%run_scoped3A : memref<!tpu.dma_semaphore, #tpu.memory_space<semaphore_mem>>)
      %dma_wait3A_29 = arith.constant 0 : i32
      %dma_wait3A_30 = tpu.memref_slice %arg3[%dma_wait3A_29, %mul3A_2] : memref<50x16384xi32, #tpu.memory_space<hbm>> -> memref<50x512xi32, #tpu.memory_space<hbm>>
      %dma_wait3A_31 = arith.constant 0 : i32
      %dma_wait3A_32 = tpu.memref_slice %arg3[%dma_wait3A_31, %mul3A_2] : memref<50x16384xi32, #tpu.memory_space<hbm>> -> memref<50x512xi32, #tpu.memory_space<hbm>>
      tpu.wait_dma2 semaphore(%run_scoped3A : memref<!tpu.dma_semaphore, #tpu.memory_space<semaphore_mem>>) src(%dma_wait3A_32 : memref<50x512xi32, #tpu.memory_space<hbm>>) dst(%arg8 : memref<50x512xi32, #tpu.memory_space<vmem>>)
      tpu.yield
    }) : () -> ()
    %dma_start3A_7 = arith.constant 0 : i32
    %dma_start3A_8 = arith.constant 0 : i32
    %dma_start3A_9 = tpu.memref_slice %arg8[%dma_start3A_7, %dma_start3A_8] : memref<50x512xi32, #tpu.memory_space<vmem>> -> memref<1x512xi32, #tpu.memory_space<vmem>>
    %dma_start3A_10 = tpu.memref_squeeze %dma_start3A_9 : memref<1x512xi32, #tpu.memory_space<vmem>> -> memref<512xi32, #tpu.memory_space<vmem>>
    %dma_start3A_11 = arith.constant 0 : i32
    %dma_start3A_12 = arith.constant 0 : i32
    %dma_start3A_13 = tpu.memref_slice %arg4[%dma_start3A_11, %dma_start3A_12] : memref<1007616x64xf32, #tpu.memory_space<hbm>> -> memref<1007616x64xf32, #tpu.memory_space<hbm>>
    tpu.enqueue_indirect_dma source(%dma_start3A_13 : memref<1007616x64xf32, #tpu.memory_space<hbm>>) target(%arg10 : memref<512x64xf32, #tpu.memory_space<vmem>>) offsets(%dma_start3A_10 : memref<512xi32, #tpu.memory_space<vmem>>) semaphore(%arg11 : memref<!tpu.dma_semaphore, #tpu.memory_space<semaphore_mem>>)
    %dma_wait3A_14 = arith.constant 0 : i32
    %dma_wait3A_15 = arith.constant 0 : i32
    %dma_wait3A_16 = tpu.memref_slice %arg8[%dma_wait3A_14, %dma_wait3A_15] : memref<50x512xi32, #tpu.memory_space<vmem>> -> memref<1x512xi32, #tpu.memory_space<vmem>>
    %dma_wait3A_17 = tpu.memref_squeeze %dma_wait3A_16 : memref<1x512xi32, #tpu.memory_space<vmem>> -> memref<512xi32, #tpu.memory_space<vmem>>
    %dma_wait3A_18 = arith.constant 0 : i32
    %dma_wait3A_19 = arith.constant 0 : i32
    %dma_wait3A_20 = tpu.memref_slice %arg4[%dma_wait3A_18, %dma_wait3A_19] : memref<1007616x64xf32, #tpu.memory_space<hbm>> -> memref<1007616x64xf32, #tpu.memory_space<hbm>>
    tpu.wait_indirect_dma semaphore(%arg11 : memref<!tpu.dma_semaphore, #tpu.memory_space<semaphore_mem>>) src(%dma_wait3A_20 : memref<1007616x64xf32, #tpu.memory_space<hbm>>) dst(%arg10 : memref<512x64xf32, #tpu.memory_space<vmem>>)
    %scan3A = arith.constant 0 : i32
    %scan3A_21 = arith.constant 7 : i32
    %scan3A_22 = arith.addi %scan3A, %scan3A_21 : i32
    %scan3A_23 = arith.constant 1 : i32
    scf.for %scan3A_25 = %scan3A to %scan3A_22 step %scan3A_23  : i32 {
      %mul3A_26 = arith.constant 1 : i32
      %mul3A_27 = arith.muli %scan3A_25, %mul3A_26 : i32
      %add3A_28 = arith.constant 0 : i32
      %add3A_29 = arith.addi %add3A_28, %mul3A_27 : i32
      %mul3A_30 = arith.constant 7 : i32
      %mul3A_31 = arith.muli %add3A_29, %mul3A_30 : i32
      %add3A_32 = arith.constant 1 : i32
      %add3A_33 = arith.addi %add3A_32, %mul3A_31 : i32
      %add3A_34 = arith.constant 0 : i32
      %add3A_35 = arith.addi %add3A_33, %add3A_34 : i32
      %dma_start3A_36 = arith.constant 0 : i32
      %dma_start3A_37 = tpu.memref_slice %arg8[%add3A_35, %dma_start3A_36] : memref<50x512xi32, #tpu.memory_space<vmem>> -> memref<1x512xi32, #tpu.memory_space<vmem>>
      %dma_start3A_38 = tpu.memref_squeeze %dma_start3A_37 : memref<1x512xi32, #tpu.memory_space<vmem>> -> memref<512xi32, #tpu.memory_space<vmem>>
      %dma_start3A_39 = arith.constant 0 : i32
      %dma_start3A_40 = arith.constant 0 : i32
      %dma_start3A_41 = tpu.memref_slice %arg4[%dma_start3A_39, %dma_start3A_40] : memref<1007616x64xf32, #tpu.memory_space<hbm>> -> memref<1007616x64xf32, #tpu.memory_space<hbm>>
      tpu.enqueue_indirect_dma source(%dma_start3A_41 : memref<1007616x64xf32, #tpu.memory_space<hbm>>) target(%arg10 : memref<512x64xf32, #tpu.memory_space<vmem>>) offsets(%dma_start3A_38 : memref<512xi32, #tpu.memory_space<vmem>>) semaphore(%arg12 : memref<!tpu.dma_semaphore, #tpu.memory_space<semaphore_mem>>) {add = true}
      %mul3A_42 = arith.constant 7 : i32
      %mul3A_43 = arith.muli %add3A_29, %mul3A_42 : i32
      %add3A_44 = arith.constant 1 : i32
      %add3A_45 = arith.addi %add3A_44, %mul3A_43 : i32
      %add3A_46 = arith.constant 1 : i32
      %add3A_47 = arith.addi %add3A_45, %add3A_46 : i32
      %dma_start3A_48 = arith.constant 0 : i32
      %dma_start3A_49 = tpu.memref_slice %arg8[%add3A_47, %dma_start3A_48] : memref<50x512xi32, #tpu.memory_space<vmem>> -> memref<1x512xi32, #tpu.memory_space<vmem>>
      %dma_start3A_50 = tpu.memref_squeeze %dma_start3A_49 : memref<1x512xi32, #tpu.memory_space<vmem>> -> memref<512xi32, #tpu.memory_space<vmem>>
      %dma_start3A_51 = arith.constant 0 : i32
      %dma_start3A_52 = arith.constant 0 : i32
      %dma_start3A_53 = tpu.memref_slice %arg4[%dma_start3A_51, %dma_start3A_52] : memref<1007616x64xf32, #tpu.memory_space<hbm>> -> memref<1007616x64xf32, #tpu.memory_space<hbm>>
      tpu.enqueue_indirect_dma source(%dma_start3A_53 : memref<1007616x64xf32, #tpu.memory_space<hbm>>) target(%arg10 : memref<512x64xf32, #tpu.memory_space<vmem>>) offsets(%dma_start3A_50 : memref<512xi32, #tpu.memory_space<vmem>>) semaphore(%arg12 : memref<!tpu.dma_semaphore, #tpu.memory_space<semaphore_mem>>) {add = true}
      %mul3A_54 = arith.constant 7 : i32
      %mul3A_55 = arith.muli %add3A_29, %mul3A_54 : i32
      %add3A_56 = arith.constant 1 : i32
      %add3A_57 = arith.addi %add3A_56, %mul3A_55 : i32
      %add3A_58 = arith.constant 2 : i32
      %add3A_59 = arith.addi %add3A_57, %add3A_58 : i32
      %dma_start3A_60 = arith.constant 0 : i32
      %dma_start3A_61 = tpu.memref_slice %arg8[%add3A_59, %dma_start3A_60] : memref<50x512xi32, #tpu.memory_space<vmem>> -> memref<1x512xi32, #tpu.memory_space<vmem>>
      %dma_start3A_62 = tpu.memref_squeeze %dma_start3A_61 : memref<1x512xi32, #tpu.memory_space<vmem>> -> memref<512xi32, #tpu.memory_space<vmem>>
      %dma_start3A_63 = arith.constant 0 : i32
      %dma_start3A_64 = arith.constant 0 : i32
      %dma_start3A_65 = tpu.memref_slice %arg4[%dma_start3A_63, %dma_start3A_64] : memref<1007616x64xf32, #tpu.memory_space<hbm>> -> memref<1007616x64xf32, #tpu.memory_space<hbm>>
      tpu.enqueue_indirect_dma source(%dma_start3A_65 : memref<1007616x64xf32, #tpu.memory_space<hbm>>) target(%arg10 : memref<512x64xf32, #tpu.memory_space<vmem>>) offsets(%dma_start3A_62 : memref<512xi32, #tpu.memory_space<vmem>>) semaphore(%arg12 : memref<!tpu.dma_semaphore, #tpu.memory_space<semaphore_mem>>) {add = true}
      %mul3A_66 = arith.constant 7 : i32
      %mul3A_67 = arith.muli %add3A_29, %mul3A_66 : i32
      %add3A_68 = arith.constant 1 : i32
      %add3A_69 = arith.addi %add3A_68, %mul3A_67 : i32
      %add3A_70 = arith.constant 3 : i32
      %add3A_71 = arith.addi %add3A_69, %add3A_70 : i32
      %dma_start3A_72 = arith.constant 0 : i32
      %dma_start3A_73 = tpu.memref_slice %arg8[%add3A_71, %dma_start3A_72] : memref<50x512xi32, #tpu.memory_space<vmem>> -> memref<1x512xi32, #tpu.memory_space<vmem>>
      %dma_start3A_74 = tpu.memref_squeeze %dma_start3A_73 : memref<1x512xi32, #tpu.memory_space<vmem>> -> memref<512xi32, #tpu.memory_space<vmem>>
      %dma_start3A_75 = arith.constant 0 : i32
      %dma_start3A_76 = arith.constant 0 : i32
      %dma_start3A_77 = tpu.memref_slice %arg4[%dma_start3A_75, %dma_start3A_76] : memref<1007616x64xf32, #tpu.memory_space<hbm>> -> memref<1007616x64xf32, #tpu.memory_space<hbm>>
      tpu.enqueue_indirect_dma source(%dma_start3A_77 : memref<1007616x64xf32, #tpu.memory_space<hbm>>) target(%arg10 : memref<512x64xf32, #tpu.memory_space<vmem>>) offsets(%dma_start3A_74 : memref<512xi32, #tpu.memory_space<vmem>>) semaphore(%arg12 : memref<!tpu.dma_semaphore, #tpu.memory_space<semaphore_mem>>) {add = true}
      %mul3A_78 = arith.constant 7 : i32
      %mul3A_79 = arith.muli %add3A_29, %mul3A_78 : i32
      %add3A_80 = arith.constant 1 : i32
      %add3A_81 = arith.addi %add3A_80, %mul3A_79 : i32
      %add3A_82 = arith.constant 4 : i32
      %add3A_83 = arith.addi %add3A_81, %add3A_82 : i32
      %dma_start3A_84 = arith.constant 0 : i32
      %dma_start3A_85 = tpu.memref_slice %arg8[%add3A_83, %dma_start3A_84] : memref<50x512xi32, #tpu.memory_space<vmem>> -> memref<1x512xi32, #tpu.memory_space<vmem>>
      %dma_start3A_86 = tpu.memref_squeeze %dma_start3A_85 : memref<1x512xi32, #tpu.memory_space<vmem>> -> memref<512xi32, #tpu.memory_space<vmem>>
      %dma_start3A_87 = arith.constant 0 : i32
      %dma_start3A_88 = arith.constant 0 : i32
      %dma_start3A_89 = tpu.memref_slice %arg4[%dma_start3A_87, %dma_start3A_88] : memref<1007616x64xf32, #tpu.memory_space<hbm>> -> memref<1007616x64xf32, #tpu.memory_space<hbm>>
      tpu.enqueue_indirect_dma source(%dma_start3A_89 : memref<1007616x64xf32, #tpu.memory_space<hbm>>) target(%arg10 : memref<512x64xf32, #tpu.memory_space<vmem>>) offsets(%dma_start3A_86 : memref<512xi32, #tpu.memory_space<vmem>>) semaphore(%arg12 : memref<!tpu.dma_semaphore, #tpu.memory_space<semaphore_mem>>) {add = true}
      %mul3A_90 = arith.constant 7 : i32
      %mul3A_91 = arith.muli %add3A_29, %mul3A_90 : i32
      %add3A_92 = arith.constant 1 : i32
      %add3A_93 = arith.addi %add3A_92, %mul3A_91 : i32
      %add3A_94 = arith.constant 5 : i32
      %add3A_95 = arith.addi %add3A_93, %add3A_94 : i32
      %dma_start3A_96 = arith.constant 0 : i32
      %dma_start3A_97 = tpu.memref_slice %arg8[%add3A_95, %dma_start3A_96] : memref<50x512xi32, #tpu.memory_space<vmem>> -> memref<1x512xi32, #tpu.memory_space<vmem>>
      %dma_start3A_98 = tpu.memref_squeeze %dma_start3A_97 : memref<1x512xi32, #tpu.memory_space<vmem>> -> memref<512xi32, #tpu.memory_space<vmem>>
      %dma_start3A_99 = arith.constant 0 : i32
      %dma_start3A_100 = arith.constant 0 : i32
      %dma_start3A_101 = tpu.memref_slice %arg4[%dma_start3A_99, %dma_start3A_100] : memref<1007616x64xf32, #tpu.memory_space<hbm>> -> memref<1007616x64xf32, #tpu.memory_space<hbm>>
      tpu.enqueue_indirect_dma source(%dma_start3A_101 : memref<1007616x64xf32, #tpu.memory_space<hbm>>) target(%arg10 : memref<512x64xf32, #tpu.memory_space<vmem>>) offsets(%dma_start3A_98 : memref<512xi32, #tpu.memory_space<vmem>>) semaphore(%arg12 : memref<!tpu.dma_semaphore, #tpu.memory_space<semaphore_mem>>) {add = true}
      %mul3A_102 = arith.constant 7 : i32
      %mul3A_103 = arith.muli %add3A_29, %mul3A_102 : i32
      %add3A_104 = arith.constant 1 : i32
      %add3A_105 = arith.addi %add3A_104, %mul3A_103 : i32
      %add3A_106 = arith.constant 6 : i32
      %add3A_107 = arith.addi %add3A_105, %add3A_106 : i32
      %dma_start3A_108 = arith.constant 0 : i32
      %dma_start3A_109 = tpu.memref_slice %arg8[%add3A_107, %dma_start3A_108] : memref<50x512xi32, #tpu.memory_space<vmem>> -> memref<1x512xi32, #tpu.memory_space<vmem>>
      %dma_start3A_110 = tpu.memref_squeeze %dma_start3A_109 : memref<1x512xi32, #tpu.memory_space<vmem>> -> memref<512xi32, #tpu.memory_space<vmem>>
      %dma_start3A_111 = arith.constant 0 : i32
      %dma_start3A_112 = arith.constant 0 : i32
      %dma_start3A_113 = tpu.memref_slice %arg4[%dma_start3A_111, %dma_start3A_112] : memref<1007616x64xf32, #tpu.memory_space<hbm>> -> memref<1007616x64xf32, #tpu.memory_space<hbm>>
      tpu.enqueue_indirect_dma source(%dma_start3A_113 : memref<1007616x64xf32, #tpu.memory_space<hbm>>) target(%arg10 : memref<512x64xf32, #tpu.memory_space<vmem>>) offsets(%dma_start3A_110 : memref<512xi32, #tpu.memory_space<vmem>>) semaphore(%arg12 : memref<!tpu.dma_semaphore, #tpu.memory_space<semaphore_mem>>) {add = true}
      %dma_wait3A_114 = arith.constant 0 : i32
      %dma_wait3A_115 = tpu.memref_slice %arg8[%add3A_35, %dma_wait3A_114] : memref<50x512xi32, #tpu.memory_space<vmem>> -> memref<1x512xi32, #tpu.memory_space<vmem>>
      %dma_wait3A_116 = tpu.memref_squeeze %dma_wait3A_115 : memref<1x512xi32, #tpu.memory_space<vmem>> -> memref<512xi32, #tpu.memory_space<vmem>>
      %dma_wait3A_117 = arith.constant 0 : i32
      %dma_wait3A_118 = arith.constant 0 : i32
      %dma_wait3A_119 = tpu.memref_slice %arg4[%dma_wait3A_117, %dma_wait3A_118] : memref<1007616x64xf32, #tpu.memory_space<hbm>> -> memref<1007616x64xf32, #tpu.memory_space<hbm>>
      tpu.wait_indirect_dma semaphore(%arg12 : memref<!tpu.dma_semaphore, #tpu.memory_space<semaphore_mem>>) src(%dma_wait3A_119 : memref<1007616x64xf32, #tpu.memory_space<hbm>>) dst(%arg10 : memref<512x64xf32, #tpu.memory_space<vmem>>)
      %dma_wait3A_120 = arith.constant 0 : i32
      %dma_wait3A_121 = tpu.memref_slice %arg8[%add3A_47, %dma_wait3A_120] : memref<50x512xi32, #tpu.memory_space<vmem>> -> memref<1x512xi32, #tpu.memory_space<vmem>>
      %dma_wait3A_122 = tpu.memref_squeeze %dma_wait3A_121 : memref<1x512xi32, #tpu.memory_space<vmem>> -> memref<512xi32, #tpu.memory_space<vmem>>
      %dma_wait3A_123 = arith.constant 0 : i32
      %dma_wait3A_124 = arith.constant 0 : i32
      %dma_wait3A_125 = tpu.memref_slice %arg4[%dma_wait3A_123, %dma_wait3A_124] : memref<1007616x64xf32, #tpu.memory_space<hbm>> -> memref<1007616x64xf32, #tpu.memory_space<hbm>>
      tpu.wait_indirect_dma semaphore(%arg12 : memref<!tpu.dma_semaphore, #tpu.memory_space<semaphore_mem>>) src(%dma_wait3A_125 : memref<1007616x64xf32, #tpu.memory_space<hbm>>) dst(%arg10 : memref<512x64xf32, #tpu.memory_space<vmem>>)
      %dma_wait3A_126 = arith.constant 0 : i32
      %dma_wait3A_127 = tpu.memref_slice %arg8[%add3A_59, %dma_wait3A_126] : memref<50x512xi32, #tpu.memory_space<vmem>> -> memref<1x512xi32, #tpu.memory_space<vmem>>
      %dma_wait3A_128 = tpu.memref_squeeze %dma_wait3A_127 : memref<1x512xi32, #tpu.memory_space<vmem>> -> memref<512xi32, #tpu.memory_space<vmem>>
      %dma_wait3A_129 = arith.constant 0 : i32
      %dma_wait3A_130 = arith.constant 0 : i32
      %dma_wait3A_131 = tpu.memref_slice %arg4[%dma_wait3A_129, %dma_wait3A_130] : memref<1007616x64xf32, #tpu.memory_space<hbm>> -> memref<1007616x64xf32, #tpu.memory_space<hbm>>
      tpu.wait_indirect_dma semaphore(%arg12 : memref<!tpu.dma_semaphore, #tpu.memory_space<semaphore_mem>>) src(%dma_wait3A_131 : memref<1007616x64xf32, #tpu.memory_space<hbm>>) dst(%arg10 : memref<512x64xf32, #tpu.memory_space<vmem>>)
      %dma_wait3A_132 = arith.constant 0 : i32
      %dma_wait3A_133 = tpu.memref_slice %arg8[%add3A_71, %dma_wait3A_132] : memref<50x512xi32, #tpu.memory_space<vmem>> -> memref<1x512xi32, #tpu.memory_space<vmem>>
      %dma_wait3A_134 = tpu.memref_squeeze %dma_wait3A_133 : memref<1x512xi32, #tpu.memory_space<vmem>> -> memref<512xi32, #tpu.memory_space<vmem>>
      %dma_wait3A_135 = arith.constant 0 : i32
      %dma_wait3A_136 = arith.constant 0 : i32
      %dma_wait3A_137 = tpu.memref_slice %arg4[%dma_wait3A_135, %dma_wait3A_136] : memref<1007616x64xf32, #tpu.memory_space<hbm>> -> memref<1007616x64xf32, #tpu.memory_space<hbm>>
      tpu.wait_indirect_dma semaphore(%arg12 : memref<!tpu.dma_semaphore, #tpu.memory_space<semaphore_mem>>) src(%dma_wait3A_137 : memref<1007616x64xf32, #tpu.memory_space<hbm>>) dst(%arg10 : memref<512x64xf32, #tpu.memory_space<vmem>>)
      %dma_wait3A_138 = arith.constant 0 : i32
      %dma_wait3A_139 = tpu.memref_slice %arg8[%add3A_83, %dma_wait3A_138] : memref<50x512xi32, #tpu.memory_space<vmem>> -> memref<1x512xi32, #tpu.memory_space<vmem>>
      %dma_wait3A_140 = tpu.memref_squeeze %dma_wait3A_139 : memref<1x512xi32, #tpu.memory_space<vmem>> -> memref<512xi32, #tpu.memory_space<vmem>>
      %dma_wait3A_141 = arith.constant 0 : i32
      %dma_wait3A_142 = arith.constant 0 : i32
      %dma_wait3A_143 = tpu.memref_slice %arg4[%dma_wait3A_141, %dma_wait3A_142] : memref<1007616x64xf32, #tpu.memory_space<hbm>> -> memref<1007616x64xf32, #tpu.memory_space<hbm>>
      tpu.wait_indirect_dma semaphore(%arg12 : memref<!tpu.dma_semaphore, #tpu.memory_space<semaphore_mem>>) src(%dma_wait3A_143 : memref<1007616x64xf32, #tpu.memory_space<hbm>>) dst(%arg10 : memref<512x64xf32, #tpu.memory_space<vmem>>)
      %dma_wait3A_144 = arith.constant 0 : i32
      %dma_wait3A_145 = tpu.memref_slice %arg8[%add3A_95, %dma_wait3A_144] : memref<50x512xi32, #tpu.memory_space<vmem>> -> memref<1x512xi32, #tpu.memory_space<vmem>>
      %dma_wait3A_146 = tpu.memref_squeeze %dma_wait3A_145 : memref<1x512xi32, #tpu.memory_space<vmem>> -> memref<512xi32, #tpu.memory_space<vmem>>
      %dma_wait3A_147 = arith.constant 0 : i32
      %dma_wait3A_148 = arith.constant 0 : i32
      %dma_wait3A_149 = tpu.memref_slice %arg4[%dma_wait3A_147, %dma_wait3A_148] : memref<1007616x64xf32, #tpu.memory_space<hbm>> -> memref<1007616x64xf32, #tpu.memory_space<hbm>>
      tpu.wait_indirect_dma semaphore(%arg12 : memref<!tpu.dma_semaphore, #tpu.memory_space<semaphore_mem>>) src(%dma_wait3A_149 : memref<1007616x64xf32, #tpu.memory_space<hbm>>) dst(%arg10 : memref<512x64xf32, #tpu.memory_space<vmem>>)
      %dma_wait3A_150 = arith.constant 0 : i32
      %dma_wait3A_151 = tpu.memref_slice %arg8[%add3A_107, %dma_wait3A_150] : memref<50x512xi32, #tpu.memory_space<vmem>> -> memref<1x512xi32, #tpu.memory_space<vmem>>
      %dma_wait3A_152 = tpu.memref_squeeze %dma_wait3A_151 : memref<1x512xi32, #tpu.memory_space<vmem>> -> memref<512xi32, #tpu.memory_space<vmem>>
      %dma_wait3A_153 = arith.constant 0 : i32
      %dma_wait3A_154 = arith.constant 0 : i32
      %dma_wait3A_155 = tpu.memref_slice %arg4[%dma_wait3A_153, %dma_wait3A_154] : memref<1007616x64xf32, #tpu.memory_space<hbm>> -> memref<1007616x64xf32, #tpu.memory_space<hbm>>
      tpu.wait_indirect_dma semaphore(%arg12 : memref<!tpu.dma_semaphore, #tpu.memory_space<semaphore_mem>>) src(%dma_wait3A_155 : memref<1007616x64xf32, #tpu.memory_space<hbm>>) dst(%arg10 : memref<512x64xf32, #tpu.memory_space<vmem>>)
    }
    %scan3A_24 = arith.constant 7 : i32
    "tpu.region"() ({
      %run_scoped3A = tpu.sem_alloc : memref<!tpu.dma_semaphore, #tpu.memory_space<semaphore_mem>>
      %dma_start3A_25 = arith.constant 0 : i32
      %dma_start3A_26 = tpu.memref_slice %arg6[%mul3A_2, %dma_start3A_25] : memref<16384x64xf32, #tpu.memory_space<hbm>> -> memref<512x64xf32, #tpu.memory_space<hbm>>
      %dma_start3A_27 = arith.constant 0 : i32
      %dma_start3A_28 = tpu.memref_slice %arg6[%mul3A_2, %dma_start3A_27] : memref<16384x64xf32, #tpu.memory_space<hbm>> -> memref<512x64xf32, #tpu.memory_space<hbm>>
      tpu.enqueue_dma source(%arg10 : memref<512x64xf32, #tpu.memory_space<vmem>>) target(%dma_start3A_28 : memref<512x64xf32, #tpu.memory_space<hbm>>) target_semaphore(%run_scoped3A : memref<!tpu.dma_semaphore, #tpu.memory_space<semaphore_mem>>)
      %dma_wait3A_29 = arith.constant 0 : i32
      %dma_wait3A_30 = tpu.memref_slice %arg6[%mul3A_2, %dma_wait3A_29] : memref<16384x64xf32, #tpu.memory_space<hbm>> -> memref<512x64xf32, #tpu.memory_space<hbm>>
      %dma_wait3A_31 = arith.constant 0 : i32
      %dma_wait3A_32 = tpu.memref_slice %arg6[%mul3A_2, %dma_wait3A_31] : memref<16384x64xf32, #tpu.memory_space<hbm>> -> memref<512x64xf32, #tpu.memory_space<hbm>>
      tpu.wait_dma2 semaphore(%run_scoped3A : memref<!tpu.dma_semaphore, #tpu.memory_space<semaphore_mem>>) src(%arg10 : memref<512x64xf32, #tpu.memory_space<vmem>>) dst(%dma_wait3A_32 : memref<512x64xf32, #tpu.memory_space<hbm>>)
      tpu.yield
    }) : () -> ()
    return
  }
}

module attributes {stable_mosaic.version = 14 : i64} {
  func.func @_tr_body(%arg0: i32, %arg1: memref<64x8192xf32, #tpu.memory_space<vmem>>, %arg2: memref<64x64xf32, #tpu.memory_space<vmem>>, %arg3: memref<4096x128xf32, #tpu.memory_space<vmem>>) attributes {dimension_semantics = [#tpu.dimension_semantics<arbitrary>], iteration_bounds = array<i64: 123>, scalar_prefetch = 0 : i64, scratch_operands = 0 : i64, tpu.core_type = #tpu.core_type<tc>, window_params = [{transform_indices = @transform_0, window_bounds = array<i64: 64, 8192>}, {pipeline_mode = #tpu.pipeline_mode<synchronous>, transform_indices = @transform_1, window_bounds = array<i64: 64, 64>}, {transform_indices = @transform_2, window_bounds = array<i64: 4096, 128>}]} {
    %get3A = arith.constant 0 : index
    %get3A_0 = arith.constant 0 : index
    %get3A_1 = vector.load %arg1[%get3A, %get3A_0] : memref<64x8192xf32, #tpu.memory_space<vmem>>, vector<64x4096xf32>
    %get3A_2 = arith.constant 0 : index
    %get3A_3 = arith.constant 0 : index
    %get3A_4 = vector.load %arg2[%get3A_2, %get3A_3] : memref<64x64xf32, #tpu.memory_space<vmem>>, vector<64x64xf32>
    %dot_general3A = arith.constant dense<0.000000e+00> : vector<4096x64xf32>
    %dot_general3A_5 = tpu.matmul %get3A_1, %get3A_4, %dot_general3A {dimension_numbers = #tpu.dot_dimension_numbers<[0], [0], [1], [1], [0, 1, 1, 1], [], []>, transpose_lhs_hint = false} : vector<64x4096xf32>, vector<64x64xf32>, vector<4096x64xf32> -> vector<4096x64xf32>
    %swap3A = arith.constant 0 : index
    %swap3A_6 = arith.constant 0 : index
    %swap3A_7 = vector.load %arg3[%swap3A, %swap3A_6] : memref<4096x128xf32, #tpu.memory_space<vmem>>, vector<4096x64xf32>
    tpu.vector_store %arg3[%swap3A, %swap3A_6], %dot_general3A_5 {strides = array<i32>} : memref<4096x128xf32, #tpu.memory_space<vmem>>, vector<4096x64xf32>,
    %get3A_8 = arith.constant 0 : index
    %get3A_9 = arith.constant 4096 : index
    %get3A_10 = vector.load %arg1[%get3A_8, %get3A_9] : memref<64x8192xf32, #tpu.memory_space<vmem>>, vector<64x4096xf32>
    %get3A_11 = arith.constant 0 : index
    %get3A_12 = arith.constant 0 : index
    %get3A_13 = vector.load %arg2[%get3A_11, %get3A_12] : memref<64x64xf32, #tpu.memory_space<vmem>>, vector<64x64xf32>
    %dot_general3A_14 = arith.constant dense<0.000000e+00> : vector<4096x64xf32>
    %dot_general3A_15 = tpu.matmul %get3A_10, %get3A_13, %dot_general3A_14 {dimension_numbers = #tpu.dot_dimension_numbers<[0], [0], [1], [1], [0, 1, 1, 1], [], []>, transpose_lhs_hint = false} : vector<64x4096xf32>, vector<64x64xf32>, vector<4096x64xf32> -> vector<4096x64xf32>
    %swap3A_16 = arith.constant 0 : index
    %swap3A_17 = arith.constant 64 : index
    %swap3A_18 = vector.load %arg3[%swap3A_16, %swap3A_17] : memref<4096x128xf32, #tpu.memory_space<vmem>>, vector<4096x64xf32>
    tpu.vector_store %arg3[%swap3A_16, %swap3A_17], %dot_general3A_15 {strides = array<i32>} : memref<4096x128xf32, #tpu.memory_space<vmem>>, vector<4096x64xf32>,
    return
  }
  func.func @transform_0(%arg0: i32) -> (i32, i32) {
    %c0_i32 = arith.constant 0 : i32
    %c0_i32_0 = arith.constant 0 : i32
    return %c0_i32, %arg0 : i32, i32
  }
  func.func @transform_1(%arg0: i32) -> (i32, i32) {
    %c0_i32 = arith.constant 0 : i32
    %c0_i32_0 = arith.constant 0 : i32
    %c0_i32_1 = arith.constant 0 : i32
    return %c0_i32, %c0_i32_0 : i32, i32
  }
  func.func @transform_2(%arg0: i32) -> (i32, i32) {
    %c0_i32 = arith.constant 0 : i32
    %c0_i32_0 = arith.constant 0 : i32
    return %arg0, %c0_i32 : i32, i32
  }
}

module attributes {stable_mosaic.version = 14 : i64} {
  func.func @_tc_body(%arg0: i32, %arg1: memref<2048x64xf32, #tpu.memory_space<vmem>>, %arg2: memref<2048x64xf32, #tpu.memory_space<vmem>>, %arg3: memref<2048x64xf32, #tpu.memory_space<vmem>>, %arg4: memref<64x64xf32, #tpu.memory_space<vmem>>, %arg5: memref<1x64xf32, #tpu.memory_space<vmem>>, %arg6: memref<64x64xf32, #tpu.memory_space<vmem>>, %arg7: memref<1x64xf32, #tpu.memory_space<vmem>>, %arg8: memref<64x64xf32, #tpu.memory_space<vmem>>, %arg9: memref<1x64xf32, #tpu.memory_space<vmem>>, %arg10: memref<64x64xf32, #tpu.memory_space<vmem>>, %arg11: memref<1x64xf32, #tpu.memory_space<vmem>>, %arg12: memref<2048xf32, #tpu.memory_space<vmem>>, %arg13: memref<2048x64xf32, #tpu.memory_space<vmem>>, %arg14: memref<2048x64xf32, #tpu.memory_space<vmem>>) attributes {dimension_semantics = [#tpu.dimension_semantics<arbitrary>], iteration_bounds = array<i64: 8>, scalar_prefetch = 0 : i64, scratch_operands = 0 : i64, tpu.core_type = #tpu.core_type<tc>, window_params = [{transform_indices = @transform_0, window_bounds = array<i64: 2048, 64>}, {transform_indices = @transform_1, window_bounds = array<i64: 2048, 64>}, {transform_indices = @transform_2, window_bounds = array<i64: 2048, 64>}, {pipeline_mode = #tpu.pipeline_mode<synchronous>, transform_indices = @transform_3, window_bounds = array<i64: 64, 64>}, {pipeline_mode = #tpu.pipeline_mode<synchronous>, transform_indices = @transform_4, window_bounds = array<i64: 1, 64>}, {pipeline_mode = #tpu.pipeline_mode<synchronous>, transform_indices = @transform_5, window_bounds = array<i64: 64, 64>}, {pipeline_mode = #tpu.pipeline_mode<synchronous>, transform_indices = @transform_6, window_bounds = array<i64: 1, 64>}, {pipeline_mode = #tpu.pipeline_mode<synchronous>, transform_indices = @transform_7, window_bounds = array<i64: 64, 64>}, {pipeline_mode = #tpu.pipeline_mode<synchronous>, transform_indices = @transform_8, window_bounds = array<i64: 1, 64>}, {pipeline_mode = #tpu.pipeline_mode<synchronous>, transform_indices = @transform_9, window_bounds = array<i64: 64, 64>}, {pipeline_mode = #tpu.pipeline_mode<synchronous>, transform_indices = @transform_10, window_bounds = array<i64: 1, 64>}, {transform_indices = @transform_11, window_bounds = array<i64: 2048>}, {transform_indices = @transform_12, window_bounds = array<i64: 2048, 64>}, {transform_indices = @transform_13, window_bounds = array<i64: 2048, 64>}]} {
    %get3A = arith.constant 0 : index
    %get3A_0 = arith.constant 0 : index
    %get3A_1 = vector.load %arg1[%get3A, %get3A_0] : memref<2048x64xf32, #tpu.memory_space<vmem>>, vector<2048x64xf32>
    %get3A_2 = arith.constant 0 : index
    %get3A_3 = arith.constant 0 : index
    %get3A_4 = vector.load %arg3[%get3A_2, %get3A_3] : memref<2048x64xf32, #tpu.memory_space<vmem>>, vector<2048x64xf32>
    %mul3A = arith.constant 2.000000e-02 : f32
    %mul3A_5 = vector.broadcast %mul3A : f32 to vector<2048x64xf32>
    %mul3A_6 = arith.mulf %get3A_4, %mul3A_5 : vector<2048x64xf32>
    %add3A = arith.addf %get3A_1, %mul3A_6 : vector<2048x64xf32>
    %get3A_7 = arith.constant 0 : index
    %get3A_8 = arith.constant 0 : index
    %get3A_9 = vector.load %arg4[%get3A_7, %get3A_8] : memref<64x64xf32, #tpu.memory_space<vmem>>, vector<64x64xf32>
    %dot_general3A = arith.constant dense<0.000000e+00> : vector<2048x64xf32>
    %dot_general3A_10 = tpu.matmul %add3A, %get3A_9, %dot_general3A {dimension_numbers = #tpu.dot_dimension_numbers<[1], [1], [0], [0], [0, 0, 1, 0], [], []>, transpose_lhs_hint = false} : vector<2048x64xf32>, vector<64x64xf32>, vector<2048x64xf32> -> vector<2048x64xf32>
    %get3A_11 = arith.constant 0 : index
    %get3A_12 = arith.constant 0 : index
    %get3A_13 = vector.load %arg5[%get3A_11, %get3A_12] : memref<1x64xf32, #tpu.memory_space<vmem>>, vector<1x64xf32>
    %add3A_14 = vector.broadcast %get3A_13 : vector<1x64xf32> to vector<2048x64xf32>
    %add3A_15 = arith.addf %dot_general3A_10, %add3A_14 : vector<2048x64xf32>
    %max3A = arith.constant 0.000000e+00 : f32
    %max3A_16 = vector.broadcast %max3A : f32 to vector<2048x64xf32>
    %max3A_17 = arith.maximumf %add3A_15, %max3A_16 : vector<2048x64xf32>
    %get3A_18 = arith.constant 0 : index
    %get3A_19 = arith.constant 0 : index
    %get3A_20 = vector.load %arg6[%get3A_18, %get3A_19] : memref<64x64xf32, #tpu.memory_space<vmem>>, vector<64x64xf32>
    %dot_general3A_21 = arith.constant dense<0.000000e+00> : vector<2048x64xf32>
    %dot_general3A_22 = tpu.matmul %max3A_17, %get3A_20, %dot_general3A_21 {dimension_numbers = #tpu.dot_dimension_numbers<[1], [1], [0], [0], [0, 0, 1, 0], [], []>, transpose_lhs_hint = false} : vector<2048x64xf32>, vector<64x64xf32>, vector<2048x64xf32> -> vector<2048x64xf32>
    %get3A_23 = arith.constant 0 : index
    %get3A_24 = arith.constant 0 : index
    %get3A_25 = vector.load %arg7[%get3A_23, %get3A_24] : memref<1x64xf32, #tpu.memory_space<vmem>>, vector<1x64xf32>
    %add3A_26 = vector.broadcast %get3A_25 : vector<1x64xf32> to vector<2048x64xf32>
    %add3A_27 = arith.addf %dot_general3A_22, %add3A_26 : vector<2048x64xf32>
    %mul3A_28 = arith.mulf %add3A_27, %add3A_27 : vector<2048x64xf32>
    %reduce_sum3A = arith.constant dense<0.000000e+00> : vector<2048xf32>
    %reduce_sum3A_29 = vector.multi_reduction <add>, %mul3A_28, %reduce_sum3A [1] : vector<2048x64xf32> to vector<2048xf32>
    %broadcast_in_dim3A = vector.shape_cast %reduce_sum3A_29 : vector<2048xf32> to vector<2048x1xf32>
    %sqrt3A = math.sqrt %broadcast_in_dim3A : vector<2048x1xf32>
    %max3A_30 = arith.constant 9.99999996E-13 : f32
    %max3A_31 = vector.broadcast %max3A_30 : f32 to vector<2048x1xf32>
    %max3A_32 = arith.maximumf %sqrt3A, %max3A_31 : vector<2048x1xf32>
    %div3A = vector.broadcast %max3A_32 : vector<2048x1xf32> to vector<2048x64xf32>
    %div3A_33 = arith.divf %add3A_27, %div3A : vector<2048x64xf32>
    %get3A_34 = arith.constant 0 : index
    %get3A_35 = arith.constant 0 : index
    %get3A_36 = vector.load %arg2[%get3A_34, %get3A_35] : memref<2048x64xf32, #tpu.memory_space<vmem>>, vector<2048x64xf32>
    %get3A_37 = arith.constant 0 : index
    %get3A_38 = arith.constant 0 : index
    %get3A_39 = vector.load %arg8[%get3A_37, %get3A_38] : memref<64x64xf32, #tpu.memory_space<vmem>>, vector<64x64xf32>
    %dot_general3A_40 = arith.constant dense<0.000000e+00> : vector<2048x64xf32>
    %dot_general3A_41 = tpu.matmul %get3A_36, %get3A_39, %dot_general3A_40 {dimension_numbers = #tpu.dot_dimension_numbers<[1], [1], [0], [0], [0, 0, 1, 0], [], []>, transpose_lhs_hint = false} : vector<2048x64xf32>, vector<64x64xf32>, vector<2048x64xf32> -> vector<2048x64xf32>
    %get3A_42 = arith.constant 0 : index
    %get3A_43 = arith.constant 0 : index
    %get3A_44 = vector.load %arg9[%get3A_42, %get3A_43] : memref<1x64xf32, #tpu.memory_space<vmem>>, vector<1x64xf32>
    %add3A_45 = vector.broadcast %get3A_44 : vector<1x64xf32> to vector<2048x64xf32>
    %add3A_46 = arith.addf %dot_general3A_41, %add3A_45 : vector<2048x64xf32>
    %max3A_47 = arith.constant 0.000000e+00 : f32
    %max3A_48 = vector.broadcast %max3A_47 : f32 to vector<2048x64xf32>
    %max3A_49 = arith.maximumf %add3A_46, %max3A_48 : vector<2048x64xf32>
    %get3A_50 = arith.constant 0 : index
    %get3A_51 = arith.constant 0 : index
    %get3A_52 = vector.load %arg10[%get3A_50, %get3A_51] : memref<64x64xf32, #tpu.memory_space<vmem>>, vector<64x64xf32>
    %dot_general3A_53 = arith.constant dense<0.000000e+00> : vector<2048x64xf32>
    %dot_general3A_54 = tpu.matmul %max3A_49, %get3A_52, %dot_general3A_53 {dimension_numbers = #tpu.dot_dimension_numbers<[1], [1], [0], [0], [0, 0, 1, 0], [], []>, transpose_lhs_hint = false} : vector<2048x64xf32>, vector<64x64xf32>, vector<2048x64xf32> -> vector<2048x64xf32>
    %get3A_55 = arith.constant 0 : index
    %get3A_56 = arith.constant 0 : index
    %get3A_57 = vector.load %arg11[%get3A_55, %get3A_56] : memref<1x64xf32, #tpu.memory_space<vmem>>, vector<1x64xf32>
    %add3A_58 = vector.broadcast %get3A_57 : vector<1x64xf32> to vector<2048x64xf32>
    %add3A_59 = arith.addf %dot_general3A_54, %add3A_58 : vector<2048x64xf32>
    %mul3A_60 = arith.mulf %add3A_59, %add3A_59 : vector<2048x64xf32>
    %reduce_sum3A_61 = arith.constant dense<0.000000e+00> : vector<2048xf32>
    %reduce_sum3A_62 = vector.multi_reduction <add>, %mul3A_60, %reduce_sum3A_61 [1] : vector<2048x64xf32> to vector<2048xf32>
    %broadcast_in_dim3A_63 = vector.shape_cast %reduce_sum3A_62 : vector<2048xf32> to vector<2048x1xf32>
    %sqrt3A_64 = math.sqrt %broadcast_in_dim3A_63 : vector<2048x1xf32>
    %max3A_65 = arith.constant 9.99999996E-13 : f32
    %max3A_66 = vector.broadcast %max3A_65 : f32 to vector<2048x1xf32>
    %max3A_67 = arith.maximumf %sqrt3A_64, %max3A_66 : vector<2048x1xf32>
    %div3A_68 = vector.broadcast %max3A_67 : vector<2048x1xf32> to vector<2048x64xf32>
    %div3A_69 = arith.divf %add3A_59, %div3A_68 : vector<2048x64xf32>
    %swap3A = arith.constant 0 : index
    %swap3A_70 = arith.constant 0 : index
    %swap3A_71 = vector.load %arg13[%swap3A, %swap3A_70] : memref<2048x64xf32, #tpu.memory_space<vmem>>, vector<2048x64xf32>
    tpu.vector_store %arg13[%swap3A, %swap3A_70], %div3A_33 {strides = array<i32>} : memref<2048x64xf32, #tpu.memory_space<vmem>>, vector<2048x64xf32>,
    %swap3A_72 = arith.constant 0 : index
    %swap3A_73 = arith.constant 0 : index
    %swap3A_74 = vector.load %arg14[%swap3A_72, %swap3A_73] : memref<2048x64xf32, #tpu.memory_space<vmem>>, vector<2048x64xf32>
    tpu.vector_store %arg14[%swap3A_72, %swap3A_73], %div3A_69 {strides = array<i32>} : memref<2048x64xf32, #tpu.memory_space<vmem>>, vector<2048x64xf32>,
    %mul3A_75 = arith.mulf %div3A_33, %div3A_69 : vector<2048x64xf32>
    %reduce_sum3A_76 = arith.constant dense<0.000000e+00> : vector<2048xf32>
    %reduce_sum3A_77 = vector.multi_reduction <add>, %mul3A_75, %reduce_sum3A_76 [1] : vector<2048x64xf32> to vector<2048xf32>
    %swap3A_78 = arith.constant 0 : index
    %swap3A_79 = vector.load %arg12[%swap3A_78] : memref<2048xf32, #tpu.memory_space<vmem>>, vector<2048xf32>
    tpu.vector_store %arg12[%swap3A_78], %reduce_sum3A_77 {strides = array<i32>} : memref<2048xf32, #tpu.memory_space<vmem>>, vector<2048xf32>,
    return
  }
  func.func @transform_0(%arg0: i32) -> (i32, i32) {
    %c0_i32 = arith.constant 0 : i32
    %c0_i32_0 = arith.constant 0 : i32
    return %arg0, %c0_i32 : i32, i32
  }
  func.func @transform_1(%arg0: i32) -> (i32, i32) {
    %c0_i32 = arith.constant 0 : i32
    %c0_i32_0 = arith.constant 0 : i32
    return %arg0, %c0_i32 : i32, i32
  }
  func.func @transform_2(%arg0: i32) -> (i32, i32) {
    %c0_i32 = arith.constant 0 : i32
    %c0_i32_0 = arith.constant 0 : i32
    return %arg0, %c0_i32 : i32, i32
  }
  func.func @transform_3(%arg0: i32) -> (i32, i32) {
    %c0_i32 = arith.constant 0 : i32
    %c0_i32_0 = arith.constant 0 : i32
    %c0_i32_1 = arith.constant 0 : i32
    return %c0_i32, %c0_i32_0 : i32, i32
  }
  func.func @transform_4(%arg0: i32) -> (i32, i32) {
    %c0_i32 = arith.constant 0 : i32
    %c0_i32_0 = arith.constant 0 : i32
    %c0_i32_1 = arith.constant 0 : i32
    return %c0_i32, %c0_i32_0 : i32, i32
  }
  func.func @transform_5(%arg0: i32) -> (i32, i32) {
    %c0_i32 = arith.constant 0 : i32
    %c0_i32_0 = arith.constant 0 : i32
    %c0_i32_1 = arith.constant 0 : i32
    return %c0_i32, %c0_i32_0 : i32, i32
  }
  func.func @transform_6(%arg0: i32) -> (i32, i32) {
    %c0_i32 = arith.constant 0 : i32
    %c0_i32_0 = arith.constant 0 : i32
    %c0_i32_1 = arith.constant 0 : i32
    return %c0_i32, %c0_i32_0 : i32, i32
  }
  func.func @transform_7(%arg0: i32) -> (i32, i32) {
    %c0_i32 = arith.constant 0 : i32
    %c0_i32_0 = arith.constant 0 : i32
    %c0_i32_1 = arith.constant 0 : i32
    return %c0_i32, %c0_i32_0 : i32, i32
  }
  func.func @transform_8(%arg0: i32) -> (i32, i32) {
    %c0_i32 = arith.constant 0 : i32
    %c0_i32_0 = arith.constant 0 : i32
    %c0_i32_1 = arith.constant 0 : i32
    return %c0_i32, %c0_i32_0 : i32, i32
  }
  func.func @transform_9(%arg0: i32) -> (i32, i32) {
    %c0_i32 = arith.constant 0 : i32
    %c0_i32_0 = arith.constant 0 : i32
    %c0_i32_1 = arith.constant 0 : i32
    return %c0_i32, %c0_i32_0 : i32, i32
  }
  func.func @transform_10(%arg0: i32) -> (i32, i32) {
    %c0_i32 = arith.constant 0 : i32
    %c0_i32_0 = arith.constant 0 : i32
    %c0_i32_1 = arith.constant 0 : i32
    return %c0_i32, %c0_i32_0 : i32, i32
  }
  func.func @transform_11(%arg0: i32) -> i32 {
    %c0_i32 = arith.constant 0 : i32
    return %arg0 : i32
  }
  func.func @transform_12(%arg0: i32) -> (i32, i32) {
    %c0_i32 = arith.constant 0 : i32
    %c0_i32_0 = arith.constant 0 : i32
    return %arg0, %c0_i32 : i32, i32
  }
  func.func @transform_13(%arg0: i32) -> (i32, i32) {
    %c0_i32 = arith.constant 0 : i32
    %c0_i32_0 = arith.constant 0 : i32
    return %arg0, %c0_i32 : i32, i32
  }
}

</mosaic_0001>

<sc_bundles>
// kernel: kernel.10.cloned.1.call-start
scs
__scs_entry_jumppad:
0x0: {  	(pc) =	sbr.rel $0x88, $3  }
0x1: {  	(tag) =	ssettag $0x0;
	lr =	simm.s32 $0x1  }
0x2: {  	[smem:$0x3F94] =	sst lr;
	_ =	strace $0xD0000000  }
0x3: {  	_ = 	snop  }
0x4: {  	_ = 	snop  }
0x5: {  	_ = 	snop  }
0x6: {  	_ = 	snop  }
0x7: {  	_ = 	snop  }
__scs_overlays_trampoline_lowered:
0x8: {  	[smem:$0x3FA3] =	sst s0  }
0x9: {  	[smem:$0x3FA4] =	sst s1  }
0xa: {  	[smem:$0x3FA5] =	sst s2  }
0xb: {  	[smem:$0x3FA6] =	sst s3  }
0xc: {  	[smem:$0x3FA7] =	sst s4  }
0xd: {  	[smem:$0x3FA8] =	sst s5  }
0xe: {  	[smem:$0x3FA9] =	sst s6  }
0xf: {  	[smem:$0x3FAA] =	sst s7  }
0x10: {  	[smem:$0x3FAB] =	sst s8  }
0x11: {  	[smem:$0x3FAC] =	sst s9;
	s0 =	simm.s32 @!p0 $0x0  }
0x12: {  	s1 =	sld [smem:$0x3F92];
	s0 =	simm.s32 @p0 $0x1  }
0x13: {  	[smem:$0x3FAD] =	sst s0;
	s0 =	simm.s32 @!p1 $0x0  }
0x14: {  	s2 =	sld [smem:$0x3F91];
	s0 =	simm.s32 @p1 $0x1  }
0x15: {  	[smem:$0x3FAE] =	sst s0;
	s0 =	simm.s32 @!p2 $0x0  }
0x16: {  	s3 =	sld [smem:$0x3FDB];
	s0 =	simm.s32 @p2 $0x1  }
0x17: {  	s4 =	simm.s32 $0x1BF5;
	[smem:$0x3FB0] =	sst s0  }
0x18: {  	s0 =	sld [smem:$0x3F93];
	_ =	swait.ge [sflag:s4], $0x0  }
0x19: {  	s7 =	sld [smem:$0x3F94]  }
0x1a: {  	s8 =	sadd.s32 $0xFFFFE003, lr  }
0x1b: {  	s9 =	sadd.s32 $0xFFFFFEF7, lr;
	s5 =	simm.s32 $0xFFFFFFFF;
	p2 =	slt.u32 s8, $0xFFFFF086  }
0x1c: {  	p1 =	slt.u32 s9, $0xF7A;
	s5 =	simm.s32 @!p2 $0x0  }
0x1d: {  	s5 =	simm.s32 @p1 $0x1;
	p0 =	seq.s32 s7, s2  }
0x1e: {  	s7 =	smul.u32 @!p0 $0xF7A, s2;
	p2 =	seq.s32 @!p0 s5, $0x0  }
0x1f: {  	s9 =	smul.u32 $0xF7A, s1;
	s8 =	simm.s32 @!p0 $0x1BF5;
	p2 =	por !p2, p0  }
0x20: {  	[sflag:s8] =	ssyncset.s32 @!p0 $0xFFFFF086;
	s6 =	sadd.s32 @!p0 s3, s7;
	s7 =	simm.s32 @!p0 $0x108  }
0x21: {  	s3 =	sadd.s32 s3, s9;
	s6 =	sadd.s32 @!p0 $0x88, s6;
	s7 =	simm.s32 @p2 $0x1082  }
0x22: {  	[simem:s7], [sflag:s8] =	dma.local @!p0 [hbm:s6], $0xF7A  }
0x23: {  	s9 =	sor.u32 $0xD0000000, s2;
	s6 =	simm.s32 $0x108;
	_ =	swait.ge @!p0 [sflag:s8], $0x0  }
0x24: {  	s3 =	sadd.s32 $0x88, s3;
	s6 =	simm.s32 @!p1 $0x1082;
	[sflag:s4] =	ssyncset.s32 $0xFFFFF086  }
0x25: {  	[simem:s6], [sflag:s4] =	dma.local [hbm:s3], $0xF7A  }
0x26: {  	[smem:$0x3F94] =	sst s1;
	(tag) =	ssettag s2;
	_ =	strace s9  }
0x27: {  	s1 =	sld [smem:$0x3FA4]  }
0x28: {  	s2 =	sld [smem:$0x3FA5]  }
0x29: {  	s4 =	sld [smem:$0x3FA7]  }
0x2a: {  	p0 =	seq.s32 s5, $0x0;
	s5 =	sld [smem:$0x3FA8]  }
0x2b: {  	s6 =	sld [smem:$0x3FA9]  }
0x2c: {  	s7 =	sld [smem:$0x3FAA]  }
0x2d: {  	s3 =	simm.s32 $0x108;
	s8 =	sld [smem:$0x3FAB]  }
0x2e: {  	s3 =	simm.s32 @!p0 $0x1082;
	s9 =	sld [smem:$0x3FAC]  }
0x2f: {  	lr =	sadd.s32 s0, s3;
	s0 =	sld [smem:$0x3FA3]  }
0x30: {  	s3 =	sld [smem:$0x3FA6]  }
0x31: {  	[smem:$0x3FAF] =	sst s10  }
0x32: {  	s10 =	sld [smem:$0x3FAD];
	_ =	sdelay $0x3  }
0x33: {  	p0 =	seq.s32 s10, $0x1;
	s10 =	sld [smem:$0x3FAF];
	_ =	sdelay $0x3  }
0x34: {  	[smem:$0x3FAF] =	sst s10  }
0x35: {  	s10 =	sld [smem:$0x3FAE];
	_ =	sdelay $0x3  }
0x36: {  	p1 =	seq.s32 s10, $0x1;
	s10 =	sld [smem:$0x3FAF];
	_ =	sdelay $0x3  }
0x37: {  	[smem:$0x3FAF] =	sst s10  }
0x38: {  	s10 =	sld [smem:$0x3FB0]  }
0x39: {  	_ = 	snop;
	(pc) =	sbr.ind lr, $3  }
0x3a: {  	_ = 	snop  }
0x3b: {  	_ = 	snop  }
0x3c: {  	p2 =	seq.s32 s10, $0x1;
	s10 =	sld [smem:$0x3FAF]  }
0x3d: {  	_ =	shalt  }
0x3e: {  	_ =	shalt  }
0x3f: {  	_ =	shalt  }
0x40: {  	_ =	shalt  }
0x41: {  	_ =	shalt  }
0x42: {  	_ =	shalt  }
0x43: {  	_ =	shalt  }
0x44: {  	_ =	shalt  }
0x45: {  	_ =	shalt  }
0x46: {  	_ =	shalt  }
0x47: {  	_ =	shalt  }
0x48: {  	_ =	shalt  }
0x49: {  	_ =	shalt  }
0x4a: {  	_ =	shalt  }
0x4b: {  	_ =	shalt  }
0x4c: {  	_ =	shalt  }
0x4d: {  	_ =	shalt  }
0x4e: {  	_ =	shalt  }
0x4f: {  	_ =	shalt  }
0x50: {  	_ =	shalt  }
0x51: {  	_ =	shalt  }
0x52: {  	_ =	shalt  }
0x53: {  	_ =	shalt  }
0x54: {  	_ =	shalt  }
0x55: {  	_ =	shalt  }
0x56: {  	_ =	shalt  }
0x57: {  	_ =	shalt  }
0x58: {  	_ =	shalt  }
0x59: {  	_ =	shalt  }
0x5a: {  	_ =	shalt  }
0x5b: {  	_ =	shalt  }
0x5c: {  	_ =	shalt  }
0x5d: {  	_ =	shalt  }
0x5e: {  	_ =	shalt  }
0x5f: {  	_ =	shalt  }
0x60: {  	_ =	shalt  }
0x61: {  	_ =	shalt  }
0x62: {  	_ =	shalt  }
0x63: {  	_ =	shalt  }
0x64: {  	_ =	shalt  }
0x65: {  	_ =	shalt  }
0x66: {  	_ =	shalt  }
0x67: {  	_ =	shalt  }
0x68: {  	_ =	shalt  }
0x69: {  	_ =	shalt  }
0x6a: {  	_ =	shalt  }
0x6b: {  	_ =	shalt  }
0x6c: {  	_ =	shalt  }
0x6d: {  	_ =	shalt  }
0x6e: {  	_ =	shalt  }
0x6f: {  	_ =	shalt  }
0x70: {  	_ =	shalt  }
0x71: {  	_ =	shalt  }
0x72: {  	_ =	shalt  }
0x73: {  	_ =	shalt  }
0x74: {  	_ =	shalt  }
0x75: {  	_ =	shalt  }
0x76: {  	_ =	shalt  }
0x77: {  	_ =	shalt  }
0x78: {  	_ =	shalt  }
0x79: {  	_ =	shalt  }
0x7a: {  	_ =	shalt  }
0x7b: {  	_ =	shalt  }
0x7c: {  	_ =	shalt  }
0x7d: {  	_ =	shalt  }
0x7e: {  	_ =	shalt  }
0x7f: {  	_ =	shalt  }
0x80: {  	_ =	shalt  }
0x81: {  	_ =	shalt  }
0x82: {  	_ =	shalt  }
0x83: {  	_ =	shalt  }
0x84: {  	_ =	shalt  }
0x85: {  	_ =	shalt  }
0x86: {  	_ =	shalt  }
0x87: {  	_ =	shalt  }
.Lfunc_end0:
.L_simem_size_0:
called_computation.1_lowered:
.L_overlay_start_0:
0x88: {  	s2 =	sld [smem:$0x3FD9]  }
0x89: {  	s3 =	sld [smem:$0x3FFE];
	_ =	sdelay $0x1  }
0x8a: {  	s1 =	srdreg.scid  }
0x8b: {  	s0 =	sand.u32 $0x1, s1  }
0x8c: {  	s14 =	sshll.u32 s0, $0xA;
	s2 =	sadd.s32 s3, s2  }
0x8d: {  	s2 =	sadd.s32 s2, s14  }
0x8e: {  	[smem:$0x3FBB] =	sst s2  }
0x8f: {  	_ = 	snop  }
0x90: {  	s2 =	sld [smem:$0x3FD0];
	_ =	sdelay $0x2  }
0x91: {  	s15 =	simm.s32 $0xB;
	s4 =	simm.s32 $0x10  }
0x92: {  	[smem:s4], [sflag:s15] =	dma.local [hbm:s2], $0x1  }
0x93: {  	_ =	swait.eq [sflag:s15], $0x1  }
0x94: {  	[sflag:s15] =	ssyncset.done $0x0  }
0x95: {  	[sflag:s15] =	ssyncadd.s32 $0xFFFFFFFF  }
0x96: {  	s16 =	sld [smem:$0x10];
	(tm) =	ssettm $0x1  }
0x97: {  	s17 =	sld [smem:$0x3FFB];
	_ =	sdelay $0x3  }
0x98: {  	_ =	strace s17  }
0x99: {  	s3 =	sld [smem:$0x3FFC];
	_ =	sdelay $0x3  }
0x9a: {  	_ =	strace s3  }
0x9b: {  	s3 =	sld [smem:$0x3FFD];
	_ =	sdelay $0x3  }
0x9c: {  	_ =	strace s3  }
0x9d: {  	_ =	strace $0x8FFFFFFF  }
0x9e: {  	s18 =	sld [smem:$0x3FDB];
	_ =	sdelay $0x1  }
0x9f: {  	s19 =	simm.s32 $_scs_section_size  }
0xa0: {  	s5 =	simm.s32 $_size__tile_overlayer_lowered;
	s6 =	simm.s32 $_tile_overlayer_lowered  }
0xa1: {  	s22 =	simm.s32 $0x1BFF;
	s21 =	sshll.u32 s6, $0x1;
	s3 =	sadd.s32 s19, s18  }
0xa2: {  	s7 =	simm.s32 $0x0;
	s20 =	sshll.u32 s5, $0x1;
	s5 =	sadd.s32 s21, s3  }
0xa3: {  	[timem:s7], [sflag:s22] =	dma.local [hbm:s5], s20  }
0xa4: {  	_ =	swait.ge [sflag:s22], s20  }
0xa5: {  	s4 =	ssub.s32 $0x0, s20;
	[sflag:s22] =	ssyncset.done $0x0  }
0xa6: {  	[sflag:s22] =	ssyncadd.s32 s4;
	_ =	sdelay $0x1  }
0xa7: {  	s23 =	simm.s32 $0x1B8B  }
0xa8: {  	_ =	swait.ge [sflag:s23], $0x1  }
0xa9: {  	[sflag:s23] =	ssyncset.done $0x0  }
0xaa: {  	s25 =	simm.s32 $0x1B8E;
	s24 =	sld [smem:$0x3FFE];
	[sflag:s23] =	ssyncadd.s32 $0xFFFFFFFF  }
0xab: {  	s26 =	simm.s32 $execute0_lowered;
	[smem:$0x3FD2] =	sst s25  }
0xac: {  	s5 =	sshll.u32 s26, $0x1;
	_ =	strace $0x80000046;
	[dreg:$0x1] =	wrdreg $0xFFFFFFFF  }
0xad: {  	s28 =	simm.s32 $_size_execute0_lowered;
	s3 =	sadd.s32 s3, s5;
	[dreg:$0x0] =	wrdreg $0x0  }
0xae: {  	s5 =	sshll.u32 s28, $0x1;
	[dreg:$0x2] =	wrdreg s3  }
0xaf: {  	[dreg:$0x3] =	wrdreg s5  }
0xb0: {  	[dreg:$0x4] =	wrdreg $0xC0  }
0xb1: {  	_ =	task [dreg:s7], $0x5FFFF  }
0xb2: {  	[dreg:$0x1] =	wrdreg $0xFFFFFFFF  }
0xb3: {  	[dreg:$0x0] =	wrdreg $0x60  }
0xb4: {  	[dreg:$0x2] =	wrdreg s16  }
0xb5: {  	[dreg:$0x3] =	wrdreg s24  }
0xb6: {  	[dreg:$0x4] =	wrdreg $0xA  }
0xb7: {  	_ =	task.clear_ibuf [dreg:s7], $0x5FFFF;
	_ =	strace $0x90000046  }
0xb8: {  	s29 =	simm.s32 $0xA;
	_ =	strace $0x80000048  }
0xb9: {  	_ =	swait.ge [sflag:s29], $0x1  }
0xba: {  	[sflag:s29] =	ssyncadd.s32 $0xFFFFFFFF  }
0xbb: {  	_ =	strace $0x90000048  }
0xbc: {  	_ =	sfence  }
0xbd: {  	s30 =	sld [smem:$0x0];
	_ =	sdelay $0x2  }
0xbe: {  	s31 =	sshll.u32 s1, $0xD;
	s1 =	sshrl.u32 s1, $0x2  }
0xbf: {  	s3 =	sand.u32 $0x4000, s31;
	s1 =	sadd.s32 s1, s30  }
0xc0: {  	s0 =	sor.u32 s3, s0;
	s1 =	sshll.u32 s1, $0x11  }
0xc1: {  	s0 =	sor.u32 s1, s0  }
0xc2: {  	s0 =	sadd.s32 $0x8F2B, s0  }
0xc3: {  	[sflag:s0] =	ssyncadd.remote.s32 $0x1  }
0xc4: {  	_ =	sfence.sel $0xFFFF  }
0xc5: {  	[dreg:$0x0] =	wrdreg $0xFFFFFFFF;
	(pc) =	sbr.abs _section_cstart, $3  }
0xc6: {  	[dreg:$0x1] =	wrdreg $0xFFFFFFFF  }
0xc7: {  	_ =	task.clear_ibuf [dreg:s7], $0x2FFFF;
	_ =	strace $0x9FFFFFFF  }
0xc8: {  	(tm) =	ssettm $0x7FFFFFFF  }
0xc9: {  	_ =	shalt  }
tec
execute0_lowered:
.L_overlay_start_1:
0x0: {  	(tag) =	ssettag $0x1  }
0x1: {  	s1 =	srdreg.scid  }
0x2: {  	s3 =	rddreg [dreg:$0x0];
	s0 =	stileid.u32  }
0x3: {  	s8 =	rddreg [dreg:$0x1];
	s2 =	simm.s32 $0x0;
	s6 =	sand.u32 $0x1, s1  }
0x4: {  	s4 =	sshll.u32 s0, $0xA;
	s1 =	rddreg [dreg:$0x2];
	s5 =	sshll.u32 s6, $0x9  }
0x5: {  	s7 =	simm.s32 $0x1;
	[smem:$0x7FF] =	sst s2;
	s9 =	sor.u32 s5, s4  }
0x6: {  	_ =	strace $0x80000047;
	s10 =	ssub.s32 $0x2, s6;
	s4 =	sshrl.u32 s9, $0x3  }
0x7: {  	s6 =	simm.s32 $0x200;
	s4 =	sadd.s32 s3, s4;
	s3 =	simm.s32 $0x2  }
0x8: {  	[tilespmem:s2], [sflag:$0x2] =	stream.linear.gather [hbm4b:s4+s2], $0x200, $0x38;
	[tilespmem:$0x8200] =	vst v63  }
0x9: {  	s5 =	sadd.s32 $0x2800, s8;
	s11 =	sshrl.u32 s10, $0x1;
	_ =	swait.ge [sflag:s3], $0x200  }
0xa: {  	s9 =	sshll.u32 s9, $0x3;
	s31 =	ssub.s32 s10, s11;
	[sflag:s3] =	ssyncset.done $0x0  }
0xb: {  	s8 =	sadd.s32 s9, s8;
	s9 =	smax.u32 s31, $0x1;
	[sflag:s3] =	ssyncadd.s32 $0xFFFFFE00  }
0xc: {  	[tilespmem:s6], [sflag:$0x1] =	stream.indirect.gather [hbm4b:s5+s6], $0x40, s2, s6, $0xb8;
	[tilespmem:$0x8200] =	vst v63  }
0xd: {  	p0 =	sne.s32 s9, $0x1;
	_ =	swait.ge [sflag:s7], $0x8000  }
.Ltmp0:
0xe: {  	[sflag:s7] =	ssyncset.done $0x0;
	(pc) =	sbr.rel @!p0 .LBB2_2-.Ltmp0, $4  }
0xf: {  	s8 =	sadd.s32 $0x7B2800, s8;
	[sflag:s7] =	ssyncadd.s32 $0xFFFF8000  }
0x10: {  	[hbm4b:s8+s2] =	stream.linear.scatter [tilespmem:s6], [sflag:$0x2], $0x8000, $0x38;
	[tilespmem:$0x8200] =	vst v63  }
0x11: {  	_ =	swait.ge [sflag:s3], $0x8000  }
0x12: {  	s9 =	sadd.s32 $0xFFFFFFFF, s9;
	[sflag:s3] =	ssyncset.done $0x0  }
.LBB2_1:
0x13: {  	p0 =	sne.s32 s9, $0x1;
	s9 =	sadd.s32 $0xFFFFFFFF, s9;
	[sflag:s3] =	ssyncadd.s32 $0xFFFF8000  }
0x14: {  	[tilespmem:s2], [sflag:$0x2] =	stream.linear.gather [hbm4b:s4+s2], $0x200, $0x38;
	[tilespmem:$0x8200] =	vst v63  }
0x15: {  	_ =	swait.ge [sflag:s3], $0x200  }
0x16: {  	[sflag:s3] =	ssyncset.done $0x0  }
0x17: {  	[sflag:s3] =	ssyncadd.s32 $0xFFFFFE00  }
0x18: {  	[tilespmem:s6], [sflag:$0x1] =	stream.indirect.gather [hbm4b:s5+s6], $0x40, s2, s6, $0xb8;
	[tilespmem:$0x8200] =	vst v63  }
0x19: {  	_ =	swait.ge [sflag:s7], $0x8000  }
.Ltmp1:
0x1a: {  	[sflag:s7] =	ssyncset.done $0x0;
	(pc) =	sbr.rel @p0 .LBB2_1-.Ltmp1, $4  }
0x1b: {  	[sflag:s7] =	ssyncadd.s32 $0xFFFF8000  }
0x1c: {  	[hbm4b:s8+s2] =	stream.linear.scatter [tilespmem:s6], [sflag:$0x2], $0x8000, $0x38;
	[tilespmem:$0x8200] =	vst v63  }
0x1d: {  	_ =	swait.ge [sflag:s3], $0x8000  }
0x1e: {  	[sflag:s3] =	ssyncset.done $0x0  }
.LBB2_2:
0x1f: {  	[sflag:s3] =	ssyncadd.s32 $0xFFFF8000  }
0x20: {  	_ =	sfence.sel $0x180000  }
0x21: {  	[bflag:$0x0] =	sbarrier.arrive $0xFFFF  }
0x22: {  	p0 =	sne.s32 s0, $0x0;
	_ =	strace $0x90000047  }
0x23: {  	s0 =	sadd.s32 @!p0 $0x100000, s1;
	[bflag:$0x2] =	sbarrier.arrive $0xFFFF  }
0x24: {  	[sflag:s0] =	ssyncadd.tile.s32 @!p0 $0x1;
	_ =	shalt  }
.Lfunc_end2:
_tile_overlayer_lowered:
.L_overlay_start_2:
0x25: {  	(tag) =	ssettag $0x2  }
0x26: {  	s0 =	rddreg [dreg:$0x0];
	s2 =	stileid.u32  }
0x27: {  	s1 =	rddreg [dreg:$0x1];
	p0 =	sne.s32 s2, $0x0  }
0x28: {  	s3 =	rddreg [dreg:$0x2];
	[bflag:$0x3] =	sbarrier.arrive $0xFFFF;
	s2 =	simm.s32 @!p0 $0x1C02  }
0x29: {  	[timem:s3], [sflag:s2] =	dma.local @!p0 [hbm:s0], s1  }
0x2a: {  	s0 =	simm.s32 @!p0 $0x2  }
0x2b: {  	_ =	swait.ge @!p0 [sflag:s0], s1  }
0x2c: {  	s1 =	ssub.s32 @!p0 $0x0, s1;
	[sflag:s0] =	ssyncset.done @!p0 $0x0  }
0x2d: {  	[sflag:s0] =	ssyncadd.s32 @!p0 s1  }
0x2e: {  	[bflag:$0x3] =	sbarrier.arrive $0xFFFF  }
0x2f: {  	_ =	shalt  }

// kernel: kernel.7.cloned.1.call-start
scs
__scs_entry_jumppad:
0x0: {  	(pc) =	sbr.rel $0x88, $3  }
0x1: {  	(tag) =	ssettag $0x0;
	lr =	simm.s32 $0x1  }
0x2: {  	[smem:$0x3F94] =	sst lr;
	_ =	strace $0xD0000000  }
0x3: {  	_ = 	snop  }
0x4: {  	_ = 	snop  }
0x5: {  	_ = 	snop  }
0x6: {  	_ = 	snop  }
0x7: {  	_ = 	snop  }
__scs_overlays_trampoline_lowered:
0x8: {  	[smem:$0x3FA3] =	sst s0  }
0x9: {  	[smem:$0x3FA4] =	sst s1  }
0xa: {  	[smem:$0x3FA5] =	sst s2  }
0xb: {  	[smem:$0x3FA6] =	sst s3  }
0xc: {  	[smem:$0x3FA7] =	sst s4  }
0xd: {  	[smem:$0x3FA8] =	sst s5  }
0xe: {  	[smem:$0x3FA9] =	sst s6  }
0xf: {  	[smem:$0x3FAA] =	sst s7  }
0x10: {  	[smem:$0x3FAB] =	sst s8  }
0x11: {  	[smem:$0x3FAC] =	sst s9;
	s0 =	simm.s32 @!p0 $0x0  }
0x12: {  	s1 =	sld [smem:$0x3F92];
	s0 =	simm.s32 @p0 $0x1  }
0x13: {  	[smem:$0x3FAD] =	sst s0;
	s0 =	simm.s32 @!p1 $0x0  }
0x14: {  	s2 =	sld [smem:$0x3F91];
	s0 =	simm.s32 @p1 $0x1  }
0x15: {  	[smem:$0x3FAE] =	sst s0;
	s0 =	simm.s32 @!p2 $0x0  }
0x16: {  	s3 =	sld [smem:$0x3FDB];
	s0 =	simm.s32 @p2 $0x1  }
0x17: {  	s4 =	simm.s32 $0x1BF5;
	[smem:$0x3FB0] =	sst s0  }
0x18: {  	s0 =	sld [smem:$0x3F93];
	_ =	swait.ge [sflag:s4], $0x0  }
0x19: {  	s7 =	sld [smem:$0x3F94]  }
0x1a: {  	s8 =	sadd.s32 $0xFFFFE003, lr  }
0x1b: {  	s9 =	sadd.s32 $0xFFFFFEF7, lr;
	s5 =	simm.s32 $0xFFFFFFFF;
	p2 =	slt.u32 s8, $0xFFFFF086  }
0x1c: {  	p1 =	slt.u32 s9, $0xF7A;
	s5 =	simm.s32 @!p2 $0x0  }
0x1d: {  	s5 =	simm.s32 @p1 $0x1;
	p0 =	seq.s32 s7, s2  }
0x1e: {  	s7 =	smul.u32 @!p0 $0xF7A, s2;
	p2 =	seq.s32 @!p0 s5, $0x0  }
0x1f: {  	s9 =	smul.u32 $0xF7A, s1;
	s8 =	simm.s32 @!p0 $0x1BF5;
	p2 =	por !p2, p0  }
0x20: {  	[sflag:s8] =	ssyncset.s32 @!p0 $0xFFFFF086;
	s6 =	sadd.s32 @!p0 s3, s7;
	s7 =	simm.s32 @!p0 $0x108  }
0x21: {  	s3 =	sadd.s32 s3, s9;
	s6 =	sadd.s32 @!p0 $0x88, s6;
	s7 =	simm.s32 @p2 $0x1082  }
0x22: {  	[simem:s7], [sflag:s8] =	dma.local @!p0 [hbm:s6], $0xF7A  }
0x23: {  	s9 =	sor.u32 $0xD0000000, s2;
	s6 =	simm.s32 $0x108;
	_ =	swait.ge @!p0 [sflag:s8], $0x0  }
0x24: {  	s3 =	sadd.s32 $0x88, s3;
	s6 =	simm.s32 @!p1 $0x1082;
	[sflag:s4] =	ssyncset.s32 $0xFFFFF086  }
0x25: {  	[simem:s6], [sflag:s4] =	dma.local [hbm:s3], $0xF7A  }
0x26: {  	[smem:$0x3F94] =	sst s1;
	(tag) =	ssettag s2;
	_ =	strace s9  }
0x27: {  	s1 =	sld [smem:$0x3FA4]  }
0x28: {  	s2 =	sld [smem:$0x3FA5]  }
0x29: {  	s4 =	sld [smem:$0x3FA7]  }
0x2a: {  	p0 =	seq.s32 s5, $0x0;
	s5 =	sld [smem:$0x3FA8]  }
0x2b: {  	s6 =	sld [smem:$0x3FA9]  }
0x2c: {  	s7 =	sld [smem:$0x3FAA]  }
0x2d: {  	s3 =	simm.s32 $0x108;
	s8 =	sld [smem:$0x3FAB]  }
0x2e: {  	s3 =	simm.s32 @!p0 $0x1082;
	s9 =	sld [smem:$0x3FAC]  }
0x2f: {  	lr =	sadd.s32 s0, s3;
	s0 =	sld [smem:$0x3FA3]  }
0x30: {  	s3 =	sld [smem:$0x3FA6]  }
0x31: {  	[smem:$0x3FAF] =	sst s10  }
0x32: {  	s10 =	sld [smem:$0x3FAD];
	_ =	sdelay $0x3  }
0x33: {  	p0 =	seq.s32 s10, $0x1;
	s10 =	sld [smem:$0x3FAF];
	_ =	sdelay $0x3  }
0x34: {  	[smem:$0x3FAF] =	sst s10  }
0x35: {  	s10 =	sld [smem:$0x3FAE];
	_ =	sdelay $0x3  }
0x36: {  	p1 =	seq.s32 s10, $0x1;
	s10 =	sld [smem:$0x3FAF];
	_ =	sdelay $0x3  }
0x37: {  	[smem:$0x3FAF] =	sst s10  }
0x38: {  	s10 =	sld [smem:$0x3FB0]  }
0x39: {  	_ = 	snop;
	(pc) =	sbr.ind lr, $3  }
0x3a: {  	_ = 	snop  }
0x3b: {  	_ = 	snop  }
0x3c: {  	p2 =	seq.s32 s10, $0x1;
	s10 =	sld [smem:$0x3FAF]  }
0x3d: {  	_ =	shalt  }
0x3e: {  	_ =	shalt  }
0x3f: {  	_ =	shalt  }
0x40: {  	_ =	shalt  }
0x41: {  	_ =	shalt  }
0x42: {  	_ =	shalt  }
0x43: {  	_ =	shalt  }
0x44: {  	_ =	shalt  }
0x45: {  	_ =	shalt  }
0x46: {  	_ =	shalt  }
0x47: {  	_ =	shalt  }
0x48: {  	_ =	shalt  }
0x49: {  	_ =	shalt  }
0x4a: {  	_ =	shalt  }
0x4b: {  	_ =	shalt  }
0x4c: {  	_ =	shalt  }
0x4d: {  	_ =	shalt  }
0x4e: {  	_ =	shalt  }
0x4f: {  	_ =	shalt  }
0x50: {  	_ =	shalt  }
0x51: {  	_ =	shalt  }
0x52: {  	_ =	shalt  }
0x53: {  	_ =	shalt  }
0x54: {  	_ =	shalt  }
0x55: {  	_ =	shalt  }
0x56: {  	_ =	shalt  }
0x57: {  	_ =	shalt  }
0x58: {  	_ =	shalt  }
0x59: {  	_ =	shalt  }
0x5a: {  	_ =	shalt  }
0x5b: {  	_ =	shalt  }
0x5c: {  	_ =	shalt  }
0x5d: {  	_ =	shalt  }
0x5e: {  	_ =	shalt  }
0x5f: {  	_ =	shalt  }
0x60: {  	_ =	shalt  }
0x61: {  	_ =	shalt  }
0x62: {  	_ =	shalt  }
0x63: {  	_ =	shalt  }
0x64: {  	_ =	shalt  }
0x65: {  	_ =	shalt  }
0x66: {  	_ =	shalt  }
0x67: {  	_ =	shalt  }
0x68: {  	_ =	shalt  }
0x69: {  	_ =	shalt  }
0x6a: {  	_ =	shalt  }
0x6b: {  	_ =	shalt  }
0x6c: {  	_ =	shalt  }
0x6d: {  	_ =	shalt  }
0x6e: {  	_ =	shalt  }
0x6f: {  	_ =	shalt  }
0x70: {  	_ =	shalt  }
0x71: {  	_ =	shalt  }
0x72: {  	_ =	shalt  }
0x73: {  	_ =	shalt  }
0x74: {  	_ =	shalt  }
0x75: {  	_ =	shalt  }
0x76: {  	_ =	shalt  }
0x77: {  	_ =	shalt  }
0x78: {  	_ =	shalt  }
0x79: {  	_ =	shalt  }
0x7a: {  	_ =	shalt  }
0x7b: {  	_ =	shalt  }
0x7c: {  	_ =	shalt  }
0x7d: {  	_ =	shalt  }
0x7e: {  	_ =	shalt  }
0x7f: {  	_ =	shalt  }
0x80: {  	_ =	shalt  }
0x81: {  	_ =	shalt  }
0x82: {  	_ =	shalt  }
0x83: {  	_ =	shalt  }
0x84: {  	_ =	shalt  }
0x85: {  	_ =	shalt  }
0x86: {  	_ =	shalt  }
0x87: {  	_ =	shalt  }
.Lfunc_end0:
.L_simem_size_0:
called_computation_lowered:
.L_overlay_start_0:
0x88: {  	s2 =	sld [smem:$0x3FD9]  }
0x89: {  	s3 =	sld [smem:$0x3FFE];
	_ =	sdelay $0x1  }
0x8a: {  	s1 =	srdreg.scid  }
0x8b: {  	s0 =	sand.u32 $0x1, s1  }
0x8c: {  	s15 =	sshll.u32 s0, $0xA;
	s2 =	sadd.s32 s3, s2  }
0x8d: {  	s2 =	sadd.s32 s2, s15  }
0x8e: {  	[smem:$0x3FBB] =	sst s2  }
0x8f: {  	_ = 	snop  }
0x90: {  	s2 =	sld [smem:$0x3FD0];
	_ =	sdelay $0x2  }
0x91: {  	s4 =	simm.s32 $0xB;
	s16 =	simm.s32 $0x10  }
0x92: {  	[smem:s16], [sflag:s4] =	dma.local [hbm:s2], $0x1  }
0x93: {  	_ =	swait.eq [sflag:s4], $0x1  }
0x94: {  	[sflag:s4] =	ssyncset.done $0x0  }
0x95: {  	s17 =	sld [smem:$0x11];
	[sflag:s4] =	ssyncadd.s32 $0xFFFFFFFF  }
0x96: {  	s18 =	sld [smem:$0x12];
	(tm) =	ssettm $0x1  }
0x97: {  	s19 =	sld [smem:$0x3FFB];
	_ =	sdelay $0x3  }
0x98: {  	_ =	strace s19  }
0x99: {  	s2 =	sld [smem:$0x3FFC];
	_ =	sdelay $0x3  }
0x9a: {  	_ =	strace s2  }
0x9b: {  	s2 =	sld [smem:$0x3FFD];
	_ =	sdelay $0x3  }
0x9c: {  	_ =	strace s2  }
0x9d: {  	_ =	strace $0x8FFFFFFF  }
0x9e: {  	s20 =	sld [smem:$0x3FDB];
	_ =	sdelay $0x1  }
0x9f: {  	s5 =	simm.s32 $_scs_section_size  }
0xa0: {  	s6 =	simm.s32 $_size__tile_overlayer_lowered;
	s7 =	simm.s32 $_tile_overlayer_lowered  }
0xa1: {  	s8 =	simm.s32 $0x1BFF;
	s21 =	sshll.u32 s7, $0x1;
	s5 =	sadd.s32 s5, s20  }
0xa2: {  	s22 =	simm.s32 $0x0;
	s6 =	sshll.u32 s6, $0x1;
	s7 =	sadd.s32 s21, s5  }
0xa3: {  	[timem:s22], [sflag:s8] =	dma.local [hbm:s7], s6  }
0xa4: {  	_ =	swait.ge [sflag:s8], s6  }
0xa5: {  	s6 =	ssub.s32 $0x0, s6;
	[sflag:s8] =	ssyncset.done $0x0  }
0xa6: {  	[sflag:s8] =	ssyncadd.s32 s6;
	_ =	sdelay $0x1  }
0xa7: {  	s23 =	simm.s32 $0x1B8B  }
0xa8: {  	_ =	swait.ge [sflag:s23], $0x1  }
0xa9: {  	[sflag:s23] =	ssyncset.done $0x0  }
0xaa: {  	[sflag:s23] =	ssyncadd.s32 $0xFFFFFFFF  }
0xab: {  	s6 =	sld [smem:$0x0]  }
0xac: {  	s7 =	sand.u32 $0xFFFFFFFE, s1  }
0xad: {  	p0 =	sne.s32 s1, s7  }
0xae: {  	s7 =	sshll.u32 @p0 s7, $0xE  }
0xaf: {  	s7 =	sadd.s32 @p0 $0x11B8D, s7;
	s8 =	sshll.u32 @p0 s6, $0x11  }
0xb0: {  	s7 =	sor.u32 @p0 s8, s7  }
0xb1: {  	[sflag:s7] =	ssyncadd.remote.s32 @p0 $0x1;
	_ =	sdelay $0x1  }
0xb2: {  	s7 =	simm.s32 @p0 $0x1B8D  }
0xb3: {  	_ =	swait.eq @p0 [sflag:s7], $0x1  }
0xb4: {  	[sflag:s7] =	ssyncadd.s32 @p0 $0xFFFFFFFF  }
0xb5: {  	s8 =	sshll.u32 @!p0 s1, $0xE  }
0xb6: {  	s8 =	sor.u32 @!p0 $0x4000, s8;
	s7 =	simm.s32 @!p0 $0x1B8D  }
0xb7: {  	s6 =	sshll.u32 @!p0 s6, $0x11;
	s8 =	sadd.s32 @!p0 $0x11B8D, s8;
	_ =	swait.eq @!p0 [sflag:s7], $0x1  }
0xb8: {  	s6 =	sor.u32 @!p0 s6, s8;
	[sflag:s7] =	ssyncadd.s32 @!p0 $0xFFFFFFFF  }
0xb9: {  	s25 =	simm.s32 $0x1B8E;
	s24 =	sld [smem:$0x3FFE];
	[sflag:s6] =	ssyncadd.remote.s32 @!p0 $0x1  }
0xba: {  	s26 =	simm.s32 $execute0_lowered;
	[smem:$0x3FD2] =	sst s25  }
0xbb: {  	s7 =	sshll.u32 s26, $0x1;
	_ =	strace $0x80000049;
	[dreg:$0x1] =	wrdreg $0xFFFFFFFF  }
0xbc: {  	s28 =	simm.s32 $_size_execute0_lowered;
	s5 =	sadd.s32 s5, s7;
	[dreg:$0x0] =	wrdreg $0x0  }
0xbd: {  	s7 =	sshll.u32 s28, $0x1;
	[dreg:$0x2] =	wrdreg s5  }
0xbe: {  	[dreg:$0x3] =	wrdreg s7  }
0xbf: {  	[dreg:$0x4] =	wrdreg $0xC0  }
0xc0: {  	_ =	task [dreg:s22], $0x5FFFF  }
0xc1: {  	[dreg:$0x1] =	wrdreg $0xFFFFFFFF  }
0xc2: {  	[dreg:$0x0] =	wrdreg $0x60  }
0xc3: {  	[dreg:$0x2] =	wrdreg s24  }
0xc4: {  	[dreg:$0x3] =	wrdreg s18  }
0xc5: {  	[dreg:$0x4] =	wrdreg s17  }
0xc6: {  	[dreg:$0x5] =	wrdreg $0x9  }
0xc7: {  	_ =	task.clear_ibuf [dreg:s22], $0x6FFFF;
	_ =	strace $0x90000049  }
0xc8: {  	s29 =	simm.s32 $0x9;
	_ =	strace $0x8000004B  }
0xc9: {  	_ =	swait.ge [sflag:s29], $0x1  }
0xca: {  	[sflag:s29] =	ssyncadd.s32 $0xFFFFFFFF  }
0xcb: {  	_ =	strace $0x9000004B  }
0xcc: {  	_ =	sfence  }
0xcd: {  	s30 =	sld [smem:$0x0];
	_ =	sdelay $0x2  }
0xce: {  	s31 =	sshll.u32 s1, $0xD;
	s1 =	sshrl.u32 s1, $0x2  }
0xcf: {  	s4 =	sand.u32 $0x4000, s31;
	s1 =	sadd.s32 s1, s30  }
0xd0: {  	s0 =	sor.u32 s4, s0;
	s1 =	sshll.u32 s1, $0x11  }
0xd1: {  	s0 =	sor.u32 s1, s0  }
0xd2: {  	s0 =	sadd.s32 $0x8F2B, s0  }
0xd3: {  	[sflag:s0] =	ssyncadd.remote.s32 $0x1  }
0xd4: {  	_ =	sfence.sel $0xFFFF  }
0xd5: {  	[dreg:$0x0] =	wrdreg $0xFFFFFFFF;
	(pc) =	sbr.abs _section_cstart, $3  }
0xd6: {  	[dreg:$0x1] =	wrdreg $0xFFFFFFFF  }
0xd7: {  	_ =	task.clear_ibuf [dreg:s22], $0x2FFFF;
	_ =	strace $0x9FFFFFFF  }
0xd8: {  	(tm) =	ssettm $0x7FFFFFFF  }
0xd9: {  	_ =	shalt  }
tec
execute0_lowered:
.L_overlay_start_1:
0x0: {  	(tag) =	ssettag $0x1  }
0x1: {  	s3 =	rddreg [dreg:$0x0]  }
0x2: {  	s5 =	rddreg [dreg:$0x1]  }
0x3: {  	s7 =	rddreg [dreg:$0x2];
	s2 =	srdreg.scid  }
0x4: {  	s0 =	rddreg [dreg:$0x3];
	s1 =	stileid.u32  }
0x5: {  	s11 =	simm.s32 $0x6600;
	s12 =	simm.s32 $0x1;
	s13 =	simm.s32 $0x4000  }
0x6: {  	s14 =	simm.s32 $0xE600;
	s15 =	simm.s32 $0x2;
	s16 =	simm.s32 $0x0  }
0x7: {  	s4 =	sand.u32 $0x1, s2;
	s2 =	simm.s32 $0x0;
	s6 =	sshll.u32 s1, $0xA  }
0x8: {  	s8 =	sshll.u32 s4, $0x9;
	[smem:$0x7FF] =	sst s2;
	s4 =	ssub.s32 $0x2, s4  }
0x9: {  	s6 =	sor.u32 s8, s6;
	_ =	strace $0x8000004A;
	s9 =	sshrl.u32 s4, $0x1  }
0xa: {  	s8 =	sshrl.u32 s6, $0x3;
	s9 =	ssub.s32 s4, s9;
	s10 =	sshll.u32 s6, $0x3  }
0xb: {  	s8 =	sadd.s32 s8, s3;
	s3 =	sadd.s32 $0x7EB800, s3;
	s5 =	sadd.s32 s5, s10  }
0xc: {  	s7 =	sadd.s32 s7, s10;
	s10 =	simm.s32 $0x200;
	s4 =	sadd.s32 $0xF9B800, s8  }
0xd: {  	s6 =	sadd.s32 $0x7D2800, s8;
	s8 =	smax.u32 s9, $0x1;
	s9 =	simm.s32 $0x3  }
.LBB2_1:
0xe: {  	[tilespmem:s2], [sflag:$0x3] =	stream.linear.gather [hbm4b:s4+s2], $0x200, $0x38;
	[tilespmem:$0x16600] =	vst v63  }
0xf: {  	_ =	swait.ge [sflag:s9], $0x200  }
0x10: {  	[sflag:s9] =	ssyncset.done $0x0  }
0x11: {  	[sflag:s9] =	ssyncadd.s32 $0xFFFFFE00  }
0x12: {  	[tilespmem:s11], [sflag:$0x1] =	stream.indirect.gather [hbm4b:s3+s10], $0x40, s2, s10, $0xb8;
	[tilespmem:$0x16600] =	vst v63  }
0x13: {  	_ =	swait.ge [sflag:s12], $0x8000  }
0x14: {  	[sflag:s12] =	ssyncset.done $0x0  }
0x15: {  	[sflag:s12] =	ssyncadd.s32 $0xFFFF8000  }
0x16: {  	[hbm4b:s5+s2] =	stream.linear.scatter [tilespmem:s11], [sflag:$0x3], $0x8000, $0x38;
	[tilespmem:$0x16600] =	vst v63  }
0x17: {  	_ =	swait.ge [sflag:s9], $0x8000  }
0x18: {  	[sflag:s9] =	ssyncset.done $0x0  }
0x19: {  	[sflag:s9] =	ssyncadd.s32 $0xFFFF8000  }
0x1a: {  	[tilespmem:s10], [sflag:$0x3] =	stream.strided.gather [hbm4b:s6+s10], $0x6400, s13, s10, $0x38;
	[tilespmem:$0x16600] =	vst v63  }
0x1b: {  	_ =	swait.ge [sflag:s9], $0x6400  }
0x1c: {  	[sflag:s9] =	ssyncset.done $0x0  }
0x1d: {  	[sflag:s9] =	ssyncadd.s32 $0xFFFF9C00  }
0x1e: {  	[tilespmem:s14], [sflag:$0x1] =	stream.indirect.gather [hbm4b:s3+s10], $0x40, s10, s10, $0xb8;
	[tilespmem:$0x16600] =	vst v63  }
0x1f: {  	_ =	swait.ge [sflag:s12], $0x8000  }
0x20: {  	[sflag:s12] =	ssyncset.done $0x0  }
0x21: {  	s17 =	simm.s32 $0x400;
	[sflag:s12] =	ssyncadd.s32 $0xFFFF8000  }
0x22: {  	[tilespmem:s14], [sflag:$0x2] =	stream.indirect.gather.add.f32 [hbm:s3], $0x40, s17, s10, $0xb8;
	[tilespmem:$0x16600] =	vst v63  }
0x23: {  	s25 =	simm.s32 $0x600  }
0x24: {  	[tilespmem:s14], [sflag:$0x2] =	stream.indirect.gather.add.f32 [hbm:s3], $0x40, s25, s10, $0xb8;
	[tilespmem:$0x16600] =	vst v63  }
0x25: {  	s26 =	simm.s32 $0x800  }
0x26: {  	[tilespmem:s14], [sflag:$0x2] =	stream.indirect.gather.add.f32 [hbm:s3], $0x40, s26, s10, $0xb8;
	[tilespmem:$0x16600] =	vst v63  }
0x27: {  	s28 =	simm.s32 $0xA00  }
0x28: {  	[tilespmem:s14], [sflag:$0x2] =	stream.indirect.gather.add.f32 [hbm:s3], $0x40, s28, s10, $0xb8;
	[tilespmem:$0x16600] =	vst v63  }
0x29: {  	s29 =	simm.s32 $0xC00  }
0x2a: {  	[tilespmem:s14], [sflag:$0x2] =	stream.indirect.gather.add.f32 [hbm:s3], $0x40, s29, s10, $0xb8;
	[tilespmem:$0x16600] =	vst v63  }
0x2b: {  	s30 =	simm.s32 $0xE00  }
0x2c: {  	[tilespmem:s14], [sflag:$0x2] =	stream.indirect.gather.add.f32 [hbm:s3], $0x40, s30, s10, $0xb8;
	[tilespmem:$0x16600] =	vst v63  }
0x2d: {  	s31 =	simm.s32 $0x1000  }
0x2e: {  	[tilespmem:s14], [sflag:$0x2] =	stream.indirect.gather.add.f32 [hbm:s3], $0x40, s31, s10, $0xb8;
	[tilespmem:$0x16600] =	vst v63  }
0x2f: {  	_ =	swait.ge [sflag:s15], $0x8000  }
0x30: {  	[sflag:s15] =	ssyncset.done $0x0  }
0x31: {  	[sflag:s15] =	ssyncadd.s32 $0xFFFF8000  }
0x32: {  	_ =	swait.ge [sflag:s15], $0x8000  }
0x33: {  	[sflag:s15] =	ssyncset.done $0x0  }
0x34: {  	[sflag:s15] =	ssyncadd.s32 $0xFFFF8000  }
0x35: {  	_ =	swait.ge [sflag:s15], $0x8000  }
0x36: {  	[sflag:s15] =	ssyncset.done $0x0  }
0x37: {  	[sflag:s15] =	ssyncadd.s32 $0xFFFF8000  }
0x38: {  	_ =	swait.ge [sflag:s15], $0x8000  }
0x39: {  	[sflag:s15] =	ssyncset.done $0x0  }
0x3a: {  	[sflag:s15] =	ssyncadd.s32 $0xFFFF8000  }
0x3b: {  	_ =	swait.ge [sflag:s15], $0x8000  }
0x3c: {  	[sflag:s15] =	ssyncset.done $0x0  }
0x3d: {  	[sflag:s15] =	ssyncadd.s32 $0xFFFF8000  }
0x3e: {  	_ =	swait.ge [sflag:s15], $0x8000  }
0x3f: {  	[sflag:s15] =	ssyncset.done $0x0  }
0x40: {  	[sflag:s15] =	ssyncadd.s32 $0xFFFF8000  }
0x41: {  	_ =	swait.ge [sflag:s15], $0x8000  }
0x42: {  	s20 =	simm.s32 $0x7000;
	s19 =	simm.s32 $0xE00;
	[sflag:s15] =	ssyncset.done $0x0  }
.LBB2_2:
0x43: {  	s21 =	sadd.s32 $0x400, s19  }
0x44: {  	[sflag:s15] =	ssyncadd.s32 $0xFFFF8000;
	s18 =	smov.u32 s20;
	s17 =	sadd.s32 $0x3800, s20  }
0x45: {  	[tilespmem:s14], [sflag:$0x2] =	stream.indirect.gather.add.f32 [hbm:s3], $0x40, s21, s10, $0xb8;
	[tilespmem:$0x16600] =	vst v63  }
0x46: {  	p0 =	sne.s32 s20, $0x15000;
	s20 =	sadd.s32 $0x600, s19  }
0x47: {  	[tilespmem:s14], [sflag:$0x2] =	stream.indirect.gather.add.f32 [hbm:s3], $0x40, s20, s10, $0xb8;
	[tilespmem:$0x16600] =	vst v63  }
0x48: {  	s20 =	sadd.s32 $0x800, s19  }
0x49: {  	[tilespmem:s14], [sflag:$0x2] =	stream.indirect.gather.add.f32 [hbm:s3], $0x40, s20, s10, $0xb8;
	[tilespmem:$0x16600] =	vst v63  }
0x4a: {  	s20 =	sadd.s32 $0xA00, s19  }
0x4b: {  	[tilespmem:s14], [sflag:$0x2] =	stream.indirect.gather.add.f32 [hbm:s3], $0x40, s20, s10, $0xb8;
	[tilespmem:$0x16600] =	vst v63  }
0x4c: {  	s20 =	sadd.s32 $0xC00, s19  }
0x4d: {  	[tilespmem:s14], [sflag:$0x2] =	stream.indirect.gather.add.f32 [hbm:s3], $0x40, s20, s10, $0xb8;
	[tilespmem:$0x16600] =	vst v63  }
0x4e: {  	s20 =	sadd.s32 $0xE00, s19  }
0x4f: {  	[tilespmem:s14], [sflag:$0x2] =	stream.indirect.gather.add.f32 [hbm:s3], $0x40, s20, s10, $0xb8;
	[tilespmem:$0x16600] =	vst v63  }
0x50: {  	s19 =	sadd.s32 $0x1000, s19  }
0x51: {  	[tilespmem:s14], [sflag:$0x2] =	stream.indirect.gather.add.f32 [hbm:s3], $0x40, s19, s10, $0xb8;
	[tilespmem:$0x16600] =	vst v63  }
0x52: {  	_ =	swait.ge [sflag:s15], $0x8000  }
0x53: {  	[sflag:s15] =	ssyncset.done $0x0  }
0x54: {  	[sflag:s15] =	ssyncadd.s32 $0xFFFF8000  }
0x55: {  	_ =	swait.ge [sflag:s15], $0x8000  }
0x56: {  	[sflag:s15] =	ssyncset.done $0x0  }
0x57: {  	[sflag:s15] =	ssyncadd.s32 $0xFFFF8000  }
0x58: {  	_ =	swait.ge [sflag:s15], $0x8000  }
0x59: {  	[sflag:s15] =	ssyncset.done $0x0  }
0x5a: {  	[sflag:s15] =	ssyncadd.s32 $0xFFFF8000  }
0x5b: {  	_ =	swait.ge [sflag:s15], $0x8000  }
0x5c: {  	[sflag:s15] =	ssyncset.done $0x0  }
0x5d: {  	[sflag:s15] =	ssyncadd.s32 $0xFFFF8000  }
0x5e: {  	_ =	swait.ge [sflag:s15], $0x8000  }
0x5f: {  	[sflag:s15] =	ssyncset.done $0x0  }
0x60: {  	[sflag:s15] =	ssyncadd.s32 $0xFFFF8000  }
.Ltmp0:
0x61: {  	_ =	swait.ge [sflag:s15], $0x8000;
	(pc) =	sbr.rel @p0 .LBB2_2-.Ltmp0, $4  }
0x62: {  	[sflag:s15] =	ssyncset.done $0x0  }
0x63: {  	[sflag:s15] =	ssyncadd.s32 $0xFFFF8000  }
0x64: {  	_ =	swait.ge [sflag:s15], $0x8000  }
0x65: {  	s20 =	smov.u32 s17;
	s19 =	sshra.s32 s18, $0x2;
	[sflag:s15] =	ssyncset.done $0x0  }
0x66: {  	s17 =	sadd.s32 $0x400, s19;
	[sflag:s15] =	ssyncadd.s32 $0xFFFF8000  }
0x67: {  	[tilespmem:s14], [sflag:$0x2] =	stream.indirect.gather.add.f32 [hbm:s3], $0x40, s17, s10, $0xb8;
	[tilespmem:$0x16600] =	vst v63  }
0x68: {  	s25 =	sadd.s32 $0x600, s19  }
0x69: {  	[tilespmem:s14], [sflag:$0x2] =	stream.indirect.gather.add.f32 [hbm:s3], $0x40, s25, s10, $0xb8;
	[tilespmem:$0x16600] =	vst v63  }
0x6a: {  	s26 =	sadd.s32 $0x800, s19  }
0x6b: {  	[tilespmem:s14], [sflag:$0x2] =	stream.indirect.gather.add.f32 [hbm:s3], $0x40, s26, s10, $0xb8;
	[tilespmem:$0x16600] =	vst v63  }
0x6c: {  	s28 =	sadd.s32 $0xA00, s19  }
0x6d: {  	[tilespmem:s14], [sflag:$0x2] =	stream.indirect.gather.add.f32 [hbm:s3], $0x40, s28, s10, $0xb8;
	[tilespmem:$0x16600] =	vst v63  }
0x6e: {  	s29 =	sadd.s32 $0xC00, s19  }
0x6f: {  	[tilespmem:s14], [sflag:$0x2] =	stream.indirect.gather.add.f32 [hbm:s3], $0x40, s29, s10, $0xb8;
	[tilespmem:$0x16600] =	vst v63  }
0x70: {  	s30 =	sadd.s32 $0xE00, s19  }
0x71: {  	[tilespmem:s14], [sflag:$0x2] =	stream.indirect.gather.add.f32 [hbm:s3], $0x40, s30, s10, $0xb8;
	[tilespmem:$0x16600] =	vst v63  }
0x72: {  	s31 =	sadd.s32 $0x1000, s19  }
0x73: {  	[tilespmem:s14], [sflag:$0x2] =	stream.indirect.gather.add.f32 [hbm:s3], $0x40, s31, s10, $0xb8;
	[tilespmem:$0x16600] =	vst v63  }
0x74: {  	_ =	swait.ge [sflag:s15], $0x8000  }
0x75: {  	[sflag:s15] =	ssyncset.done $0x0  }
0x76: {  	[sflag:s15] =	ssyncadd.s32 $0xFFFF8000  }
0x77: {  	_ =	swait.ge [sflag:s15], $0x8000  }
0x78: {  	[sflag:s15] =	ssyncset.done $0x0  }
0x79: {  	[sflag:s15] =	ssyncadd.s32 $0xFFFF8000  }
0x7a: {  	_ =	swait.ge [sflag:s15], $0x8000  }
0x7b: {  	[sflag:s15] =	ssyncset.done $0x0  }
0x7c: {  	[sflag:s15] =	ssyncadd.s32 $0xFFFF8000  }
0x7d: {  	_ =	swait.ge [sflag:s15], $0x8000  }
0x7e: {  	[sflag:s15] =	ssyncset.done $0x0  }
0x7f: {  	[sflag:s15] =	ssyncadd.s32 $0xFFFF8000  }
0x80: {  	_ =	swait.ge [sflag:s15], $0x8000  }
0x81: {  	[sflag:s15] =	ssyncset.done $0x0  }
0x82: {  	[sflag:s15] =	ssyncadd.s32 $0xFFFF8000  }
0x83: {  	_ =	swait.ge [sflag:s15], $0x8000  }
0x84: {  	[sflag:s15] =	ssyncset.done $0x0  }
0x85: {  	[sflag:s15] =	ssyncadd.s32 $0xFFFF8000  }
0x86: {  	s16 =	sadd.s32 $0x1, s16;
	_ =	swait.ge [sflag:s15], $0x8000  }
0x87: {  	p0 =	sne.s32 s16, s8;
	[sflag:s15] =	ssyncset.done $0x0  }
.Ltmp1:
0x88: {  	[sflag:s15] =	ssyncadd.s32 $0xFFFF8000;
	(pc) =	sbr.rel @p0 .LBB2_1-.Ltmp1, $4  }
0x89: {  	[hbm4b:s7+s2] =	stream.linear.scatter [tilespmem:s14], [sflag:$0x3], $0x8000, $0x38;
	[tilespmem:$0x16600] =	vst v63  }
0x8a: {  	_ =	swait.ge [sflag:s9], $0x8000  }
0x8b: {  	[sflag:s9] =	ssyncset.done $0x0  }
0x8c: {  	[sflag:s9] =	ssyncadd.s32 $0xFFFF8000  }
0x8d: {  	_ =	sfence.sel $0x180000  }
0x8e: {  	[bflag:$0x0] =	sbarrier.arrive $0xFFFF  }
0x8f: {  	p0 =	sne.s32 s1, $0x0;
	_ =	strace $0x9000004A  }
0x90: {  	s0 =	sadd.s32 @!p0 $0x100000, s0;
	[bflag:$0x2] =	sbarrier.arrive $0xFFFF  }
0x91: {  	[sflag:s0] =	ssyncadd.tile.s32 @!p0 $0x1;
	_ =	shalt  }
.Lfunc_end2:
_tile_overlayer_lowered:
.L_overlay_start_2:
0x92: {  	(tag) =	ssettag $0x2  }
0x93: {  	s0 =	rddreg [dreg:$0x0];
	s2 =	stileid.u32  }
0x94: {  	s1 =	rddreg [dreg:$0x1];
	p0 =	sne.s32 s2, $0x0  }
0x95: {  	s3 =	rddreg [dreg:$0x2];
	[bflag:$0x3] =	sbarrier.arrive $0xFFFF;
	s2 =	simm.s32 @!p0 $0x1C03  }
0x96: {  	[timem:s3], [sflag:s2] =	dma.local @!p0 [hbm:s0], s1  }
0x97: {  	s0 =	simm.s32 @!p0 $0x3  }
0x98: {  	_ =	swait.ge @!p0 [sflag:s0], s1  }
0x99: {  	s1 =	ssub.s32 @!p0 $0x0, s1;
	[sflag:s0] =	ssyncset.done @!p0 $0x0  }
0x9a: {  	[sflag:s0] =	ssyncadd.s32 @!p0 s1  }
0x9b: {  	[bflag:$0x3] =	sbarrier.arrive $0xFFFF  }
0x9c: {  	_ =	shalt  }

</sc_bundles>
